<compile_context>
chip_gen: v7x
topology: tpu7x:2x2x1
jax: 0.10.2.dev20260603
libtpu: 0.0.44.dev20260713+nightly
codegen_flags: <defaults>
</compile_context>

<pallas_src>
import functools

import jax
import jax.numpy as jnp
from jax import lax
from jax.experimental import pallas as pl
from jax.experimental.pallas import tpu as pltpu
from jax.experimental.pallas import tpu_sc as plsc

N = 10000
R = 10240
E = 320000
EP = 327680
NPAD = 64
BM = 640
GB = 128
RPT = R // 16

_MESH = dict(core_axis_name="c", subcore_axis_name="s")



def _build_degree():
    ept = EP // 32

    @functools.partial(
        pl.kernel,
        mesh=plsc.VectorSubcoreMesh(**_MESH),
        out_type=jax.ShapeDtypeStruct((32, R), jnp.float32),
        scratch_types=[
            pltpu.VMEM((R,), jnp.float32),
            pltpu.VMEM((ept,), jnp.int32),
        ],
        compiler_params=pltpu.CompilerParams(needs_layout_passes=False),
    )
    def deg_kernel(dst_hbm, out_hbm, hist, dstbuf):
        c = lax.axis_index("c")
        s = lax.axis_index("s")
        wid = c * 16 + s

        def zero(i, carry):
            hist[pl.ds(i * 16, 16)] = jnp.zeros((16,), jnp.float32)
            return carry
        lax.fori_loop(0, R // 16, zero, 0)

        pltpu.sync_copy(dst_hbm.at[pl.ds(wid * ept, ept)], dstbuf)

        ones = jnp.ones((16,), jnp.float32)

        def body(i, carry):
            idx = dstbuf[pl.ds(i * 16, 16)]
            plsc.addupdate_scatter(hist, [idx], ones)
            return carry
        lax.fori_loop(0, ept // 16, body, 0)

        pltpu.sync_copy(hist, out_hbm.at[wid])

    return deg_kernel


def _build_scatter(split_edges):
    ept = EP // 32 if split_edges else EP // 16
    nb = ept // GB
    CH = 40
    nch = nb // CH
    gc = CH // 2

    @functools.partial(
        pl.kernel,
        mesh=plsc.VectorSubcoreMesh(**_MESH),
        out_type=[
            jax.ShapeDtypeStruct((R, 128), jnp.float32),
            jax.ShapeDtypeStruct((R, 128), jnp.float32),
        ],
        scratch_types=[
            pltpu.VMEM((CH, GB), jnp.int32),
            pltpu.VMEM((CH, GB), jnp.int32),
            [pltpu.VMEM((GB, 128), jnp.float32)] * 2,
            [pltpu.SemaphoreType.DMA] * 2,
            pltpu.VMEM_SHARED((R, 128), jnp.float32),
        ],
    )
    def scat_kernel(ta, tb, src_hbm, dst_hbm, oa, ob,
                    srcb, dstb, bufs, sems, acc):
        c = lax.axis_index("c")
        s = lax.axis_index("s")

        def zr(i, carry):
            bufs[0][i // 8, pl.ds((i % 8) * 16, 16)] = jnp.zeros((16,), jnp.float32)
            return carry
        lax.fori_loop(0, GB * 8, zr, 0)
        for kk in range(RPT // GB):
            pltpu.sync_copy(bufs[0], acc.at[pl.ds(s * RPT + kk * GB, GB)])
        plsc.subcore_barrier()

        if split_edges:
            row_base = (c * 16 + s) * nb
        else:
            row_base = s * nb

        def gstart(j, b):
            @pl.when(c == 0)
            def _():
                pltpu.async_copy(ta.at[srcb.at[b]], bufs[j], sems[j])

            @pl.when(c == 1)
            def _():
                pltpu.async_copy(tb.at[srcb.at[b]], bufs[j], sems[j])

        def gwait(j):
            pltpu.make_async_copy(ta.at[srcb.at[0]], bufs[j], sems[j]).wait()

        def chunk(ch, carry):
            row0 = row_base + ch * CH
            pltpu.sync_copy(src_hbm.at[pl.ds(row0, CH)], srcb)
            pltpu.sync_copy(dst_hbm.at[pl.ds(row0, CH)], dstb)
            gstart(0, 0)

            def group(bg, carry2):
                b0 = bg * 2
                gstart(1, b0 + 1)
                gwait(0)
                pltpu.sync_copy(bufs[0], acc.at[dstb.at[b0]], add=True)

                @pl.when(b0 + 2 < CH)
                def _():
                    gstart(0, b0 + 2)

                gwait(1)
                pltpu.sync_copy(bufs[1], acc.at[dstb.at[b0 + 1]], add=True)
                return carry2
            lax.fori_loop(0, gc, group, 0)
            return carry
        lax.fori_loop(0, nch, chunk, 0)

        plsc.subcore_barrier()
        ob_base = s * RPT

        @pl.when(c == 0)
        def _():
            pltpu.sync_copy(acc.at[pl.ds(ob_base, RPT)], oa.at[pl.ds(ob_base, RPT)])

        @pl.when(c == 1)
        def _():
            pltpu.sync_copy(acc.at[pl.ds(ob_base, RPT)], ob.at[pl.ds(ob_base, RPT)])

    return scat_kernel


_deg_call = _build_degree()
_scatter_halves = _build_scatter(split_edges=False)
_scatter_split = _build_scatter(split_edges=True)



def _dinv_from_cnt(c_ref):
    deg = 1.0 + jnp.sum(c_ref[...], axis=0)
    return lax.rsqrt(deg)


def _tc1(xp, W1, cnt):
    def body(x_ref, w_ref, c_ref, ga_ref, gb_ref):
        dinv = _dinv_from_cnt(c_ref)
        h = jnp.dot(x_ref[...], w_ref[...], preferred_element_type=jnp.float32)
        g = h * dinv[:, None]
        ga_ref[...] = g[:, :128]
        gb_ref[...] = g[:, 128:]

    return pl.pallas_call(
        body,
        grid=(R // BM,),
        in_specs=[
            pl.BlockSpec((BM, 128), lambda i: (i, 0)),
            pl.BlockSpec((128, 256), lambda i: (0, 0)),
            pl.BlockSpec((32, BM), lambda i: (0, i)),
        ],
        out_specs=[
            pl.BlockSpec((BM, 128), lambda i: (i, 0)),
            pl.BlockSpec((BM, 128), lambda i: (i, 0)),
        ],
        out_shape=[jax.ShapeDtypeStruct((R, 128), jnp.float32)] * 2,
    )(xp, W1, cnt)


def _tc2(s1a, s1b, g1a, g1b, cnt, W2, b1):
    def body(sa, sb, ga, gb, c_ref, w_ref, b_ref, out_ref):
        dinv = _dinv_from_cnt(c_ref)
        ha = (sa[...] + ga[...]) * dinv[:, None]
        hb = (sb[...] + gb[...]) * dinv[:, None]
        z = jnp.concatenate([ha, hb], axis=1) + b_ref[...]
        z = jnp.maximum(z, 0.0)
        h2 = jnp.dot(z, w_ref[...], preferred_element_type=jnp.float32)
        out_ref[...] = h2 * dinv[:, None]

    blk = pl.BlockSpec((BM, 128), lambda i: (i, 0))
    return pl.pallas_call(
        body,
        grid=(R // BM,),
        in_specs=[
            blk, blk, blk, blk,
            pl.BlockSpec((32, BM), lambda i: (0, i)),
            pl.BlockSpec((256, 128), lambda i: (0, 0)),
            pl.BlockSpec((1, 256), lambda i: (0, 0)),
        ],
        out_specs=blk,
        out_shape=jax.ShapeDtypeStruct((R, 128), jnp.float32),
    )(s1a, s1b, g1a, g1b, cnt, W2, b1)


def _tc3(s2a, s2b, g2, cnt, Wf, b2, bf):
    def body(sa, sb, g_ref, c_ref, w_ref, b2_ref, bf_ref, out_ref):
        dinv = _dinv_from_cnt(c_ref)
        conv2 = (sa[...] + sb[...] + g_ref[...]) * dinv[:, None] + b2_ref[...]
        out_ref[...] = (
            jnp.dot(conv2, w_ref[...], preferred_element_type=jnp.float32)
            + bf_ref[...]
        )

    blk = pl.BlockSpec((BM, 128), lambda i: (i, 0))
    return pl.pallas_call(
        body,
        grid=(R // BM,),
        in_specs=[
            blk, blk, blk,
            pl.BlockSpec((32, BM), lambda i: (0, i)),
            pl.BlockSpec((128, 128), lambda i: (0, 0)),
            pl.BlockSpec((1, 128), lambda i: (0, 0)),
            pl.BlockSpec((1, 128), lambda i: (0, 0)),
        ],
        out_specs=blk,
        out_shape=jax.ShapeDtypeStruct((N, 128), jnp.float32),
    )(s2a, s2b, g2, cnt, Wf, b2, bf)



def kernel(x, edge_index, W1, b1, W2, b2, Wf, bf):
    src = edge_index[0].astype(jnp.int32)
    dst = edge_index[1].astype(jnp.int32)
    pad_idx = (jnp.arange(EP - E, dtype=jnp.int32) % NPAD) + N
    srcp = jnp.concatenate([src, pad_idx]).reshape(EP // GB, GB)
    dstp_flat = jnp.concatenate([dst, pad_idx])
    dstp = dstp_flat.reshape(EP // GB, GB)
    xp = jnp.pad(x, ((0, R - N), (0, 0)))

    cnt = _deg_call(dstp_flat)
    g1a, g1b = _tc1(xp, W1, cnt)
    s1a, s1b = _scatter_halves(g1a, g1b, srcp, dstp)
    g2 = _tc2(s1a, s1b, g1a, g1b, cnt, W2, b1.reshape(1, 256))
    s2a, s2b = _scatter_split(g2, g2, srcp, dstp)
    return _tc3(s2a, s2b, g2, cnt, Wf, b2.reshape(1, 128), bf.reshape(1, 128))

# --- scband reference (transcript-rebuilt; emitter-appended) ---
"""Pipeline reference for scband-encoder-25048249270385 (READ-ONLY COPY).

The authoritative reference and input builder live on the scoring server;
editing this copy changes nothing except your own understanding.
"""

import jax, jax.numpy as jnp
import numpy as np

N_NODES = 10000
N_EDGES = 320000
IN_CH = 128
OUT_CH = 128
HID = 2 * OUT_CH


def glorot(key, shape):
    fan_in, fan_out = shape[0], shape[1]
    limit = float(np.sqrt(6.0 / (fan_in + fan_out)))
    return jax.random.uniform(key, shape, dtype=jnp.float32, minval=-limit, maxval=limit)


def setup_inputs(seed: int = 0) -> dict:
    key = jax.random.key(seed)
    ks = jax.random.split(key, 8)
    x = jax.random.normal(ks[0], (N_NODES, IN_CH), dtype=jnp.float32)
    edge_index = jax.random.randint(ks[1], (2, N_EDGES), 0, N_NODES, dtype=jnp.int64 if jax.config.jax_enable_x64 else jnp.int32).astype(jnp.int32)
    W1 = glorot(ks[2], (IN_CH, HID))
    b1 = jnp.zeros((HID,), dtype=jnp.float32)
    W2 = glorot(ks[3], (HID, OUT_CH))
    b2 = jnp.zeros((OUT_CH,), dtype=jnp.float32)
    Wf = glorot(ks[4], (OUT_CH, OUT_CH))
    bf = jnp.zeros((OUT_CH,), dtype=jnp.float32)
    return {"x": x, "edge_index": edge_index, "W1": W1, "b1": b1, "W2": W2, "b2": b2, "Wf": Wf, "bf": bf}


def gcn_conv(x, edge_index, W, b):
    num_nodes = x.shape[0]
    # linear transform first (as in PyG GCNConv)
    h = x @ W
    src = edge_index[0]
    dst = edge_index[1]
    # add self loops
    loop = jnp.arange(num_nodes, dtype=src.dtype)
    src = jnp.concatenate([src, loop])
    dst = jnp.concatenate([dst, loop])
    # symmetric normalization: D^{-1/2} (A+I) D^{-1/2}
    deg = jnp.zeros((num_nodes,), dtype=jnp.float32).at[dst].add(1.0)
    deg_inv_sqrt = jnp.where(deg > 0, deg ** -0.5, 0.0)
    norm = deg_inv_sqrt[src] * deg_inv_sqrt[dst]
    # gather messages from src, scatter-add into dst
    msgs = norm[:, None] * jnp.take(h, src, axis=0)
    out = jnp.zeros((num_nodes, h.shape[1]), dtype=jnp.float32).at[dst].add(msgs)
    return out + b


def reference(x, edge_index, W1, b1, W2, b2, Wf, bf):
    h = jax.nn.relu(gcn_conv(x, edge_index, W1, b1))
    h = gcn_conv(h, edge_index, W2, b2)
    out = h @ Wf + bf
    return out

if __name__ == "__main__":
    import jax
    _d = setup_inputs()
    print(jax.jit(kernel)(*tuple(_d.values())))

</pallas_src>

<mosaic_0001>
#map = affine_map<(d0, d1) -> (0, 0)>
module attributes {stable_mosaic.version = 14 : i64} {
  func.func @scat_kernel(%arg0: i32, %arg1: i32, %arg2: memref<10240x128xf32, #tpu.memory_space<hbm>>, %arg3: memref<10240x128xf32, #tpu.memory_space<hbm>>, %arg4: memref<2560x128xi32, #tpu.memory_space<hbm>>, %arg5: memref<2560x128xi32, #tpu.memory_space<hbm>>, %arg6: memref<10240x128xf32, #tpu.memory_space<hbm>>, %arg7: memref<10240x128xf32, #tpu.memory_space<hbm>>, %arg8: memref<40x128xi32, #tpu.memory_space<vmem>>, %arg9: memref<40x128xi32, #tpu.memory_space<vmem>>, %arg10: memref<128x128xf32, #tpu.memory_space<vmem>>, %arg11: memref<128x128xf32, #tpu.memory_space<vmem>>, %arg12: memref<!tpu.dma_semaphore, #tpu.memory_space<semaphore_mem>>, %arg13: memref<!tpu.dma_semaphore, #tpu.memory_space<semaphore_mem>>, %arg14: memref<10240x128xf32, #tpu.memory_space<vmem_shared>>) attributes {dimension_semantics = [#tpu.dimension_semantics<core_parallel>, #tpu.dimension_semantics<subcore_parallel>], iteration_bounds = array<i64: 2, 16>, scalar_prefetch = 0 : i64, scratch_operands = 7 : i64, tpu.core_type = #tpu.core_type<sc_vector_subcore>, window_params = [{transform_indices = #map}, {transform_indices = #map}, {transform_indices = #map}, {transform_indices = #map}, {transform_indices = #map}, {transform_indices = #map}]} {
    %scan3A = arith.constant 0 : i32
    %scan3A_0 = arith.constant 0 : i32
    %scan3A_1 = arith.constant 1024 : i32
    %scan3A_2 = arith.addi %scan3A_0, %scan3A_1 : i32
    %scan3A_3 = arith.constant 1 : i32
    scf.for %scan3A_41 = %scan3A_0 to %scan3A_2 step %scan3A_3  : i32 {
      %broadcast_in_dim3A = arith.constant 0.000000e+00 : f32
      %broadcast_in_dim3A_42 = vector.broadcast %broadcast_in_dim3A : f32 to vector<16xf32>
      %jit3A = arith.constant 8 : i32
      %div3A = arith.divsi %scan3A_41, %jit3A : i32
      %sign3A = arith.constant 0 : i32
      %sign3A_43 = arith.cmpi sgt, %scan3A_41, %sign3A : i32
      %sign3A_44 = arith.extui %sign3A_43 : i1 to i32
      %sign3A_45 = arith.constant 0 : i32
      %sign3A_46 = arith.cmpi slt, %scan3A_41, %sign3A_45 : i32
      %sign3A_47 = arith.extui %sign3A_46 : i1 to i32
      %sign3A_48 = arith.subi %sign3A_44, %sign3A_47 : i32
      %sign3A_49 = arith.constant 0 : i32
      %sign3A_50 = arith.cmpi sgt, %jit3A, %sign3A_49 : i32
      %sign3A_51 = arith.extui %sign3A_50 : i1 to i32
      %sign3A_52 = arith.constant 0 : i32
      %sign3A_53 = arith.cmpi slt, %jit3A, %sign3A_52 : i32
      %sign3A_54 = arith.extui %sign3A_53 : i1 to i32
      %sign3A_55 = arith.subi %sign3A_51, %sign3A_54 : i32
      %ne3A = arith.cmpi ne, %sign3A_48, %sign3A_55 : i32
      %rem3A = arith.remsi %scan3A_41, %jit3A : i32
      %ne3A_56 = arith.constant 0 : i32
      %ne3A_57 = arith.cmpi ne, %rem3A, %ne3A_56 : i32
      %and3A = arith.andi %ne3A, %ne3A_57 : i1
      %sub3A = arith.constant 1 : i32
      %sub3A_58 = arith.subi %div3A, %sub3A : i32
      %select_n3A = arith.select %and3A, %sub3A_58, %div3A : i32
      %jit3A_59 = arith.constant 8 : i32
      %eq3A_60 = arith.constant 0 : i32
      %eq3A_61 = arith.cmpi eq, %jit3A_59, %eq3A_60 : i32
      %jit3A_62 = arith.constant 1 : i32
      %select_n3A_63 = arith.select %eq3A_61, %jit3A_62, %jit3A_59 : i32
      %rem3A_64 = arith.remsi %scan3A_41, %select_n3A_63 : i32
      %ne3A_65 = arith.constant 0 : i32
      %ne3A_66 = arith.cmpi ne, %rem3A_64, %ne3A_65 : i32
      %lt3A = arith.constant 0 : i32
      %lt3A_67 = arith.cmpi slt, %rem3A_64, %lt3A : i32
      %lt3A_68 = arith.constant 0 : i32
      %lt3A_69 = arith.cmpi slt, %select_n3A_63, %lt3A_68 : i32
      %ne3A_70 = arith.xori %lt3A_67, %lt3A_69 : i1
      %and3A_71 = arith.andi %ne3A_70, %ne3A_66 : i1
      %add3A_72 = arith.addi %rem3A_64, %select_n3A_63 : i32
      %select_n3A_73 = arith.select %and3A_71, %add3A_72, %rem3A_64 : i32
      %mul3A_74 = arith.constant 16 : i32
      %mul3A_75 = arith.muli %select_n3A_73, %mul3A_74 : i32
      %swap3A = arith.index_cast %select_n3A : i32 to index
      %swap3A_76 = arith.index_cast %mul3A_75 : i32 to index
      %swap3A_77 = tpu.vector_load %arg10[%swap3A, %swap3A_76] {strides = array<i32>} : memref<128x128xf32, #tpu.memory_space<vmem>>, vector<1x16xf32>,
      %swap3A_78 = vector.shape_cast %swap3A_77 : vector<1x16xf32> to vector<16xf32>
      %swap3A_79 = vector.shape_cast %broadcast_in_dim3A_42 : vector<16xf32> to vector<1x16xf32>
      tpu.vector_store %arg10[%swap3A, %swap3A_76], %swap3A_79 {strides = array<i32>} : memref<128x128xf32, #tpu.memory_space<vmem>>, vector<1x16xf32>,
    }
    %scan3A_4 = arith.constant 1024 : i32
    %mul3A = arith.constant 640 : i32
    %mul3A_5 = arith.muli %arg1, %mul3A : i32
    %add3A = arith.constant 0 : i32
    %add3A_6 = arith.addi %mul3A_5, %add3A : i32
    "tpu.region"() ({
      %run_scoped3A = tpu.sem_alloc : memref<!tpu.dma_semaphore, #tpu.memory_space<semaphore_mem>>
      %dma_start3A = arith.constant 0 : i32
      %dma_start3A_41 = tpu.memref_slice %arg14[%add3A_6, %dma_start3A] : memref<10240x128xf32, #tpu.memory_space<vmem_shared>> -> memref<128x128xf32, #tpu.memory_space<vmem_shared>>
      %dma_start3A_42 = arith.constant 0 : i32
      %dma_start3A_43 = tpu.memref_slice %arg14[%add3A_6, %dma_start3A_42] : memref<10240x128xf32, #tpu.memory_space<vmem_shared>> -> memref<128x128xf32, #tpu.memory_space<vmem_shared>>
      tpu.enqueue_dma source(%arg10 : memref<128x128xf32, #tpu.memory_space<vmem>>) target(%dma_start3A_43 : memref<128x128xf32, #tpu.memory_space<vmem_shared>>) target_semaphore(%run_scoped3A : memref<!tpu.dma_semaphore, #tpu.memory_space<semaphore_mem>>)
      %dma_wait3A = arith.constant 0 : i32
      %dma_wait3A_44 = tpu.memref_slice %arg14[%add3A_6, %dma_wait3A] : memref<10240x128xf32, #tpu.memory_space<vmem_shared>> -> memref<128x128xf32, #tpu.memory_space<vmem_shared>>
      %dma_wait3A_45 = arith.constant 0 : i32
      %dma_wait3A_46 = tpu.memref_slice %arg14[%add3A_6, %dma_wait3A_45] : memref<10240x128xf32, #tpu.memory_space<vmem_shared>> -> memref<128x128xf32, #tpu.memory_space<vmem_shared>>
      tpu.wait_dma2 semaphore(%run_scoped3A : memref<!tpu.dma_semaphore, #tpu.memory_space<semaphore_mem>>) src(%arg10 : memref<128x128xf32, #tpu.memory_space<vmem>>) dst(%dma_wait3A_46 : memref<128x128xf32, #tpu.memory_space<vmem_shared>>)
      tpu.yield
    }) : () -> ()
    %mul3A_7 = arith.constant 640 : i32
    %mul3A_8 = arith.muli %arg1, %mul3A_7 : i32
    %add3A_9 = arith.constant 128 : i32
    %add3A_10 = arith.addi %mul3A_8, %add3A_9 : i32
    "tpu.region"() ({
      %run_scoped3A = tpu.sem_alloc : memref<!tpu.dma_semaphore, #tpu.memory_space<semaphore_mem>>
      %dma_start3A = arith.constant 0 : i32
      %dma_start3A_41 = tpu.memref_slice %arg14[%add3A_10, %dma_start3A] : memref<10240x128xf32, #tpu.memory_space<vmem_shared>> -> memref<128x128xf32, #tpu.memory_space<vmem_shared>>
      %dma_start3A_42 = arith.constant 0 : i32
      %dma_start3A_43 = tpu.memref_slice %arg14[%add3A_10, %dma_start3A_42] : memref<10240x128xf32, #tpu.memory_space<vmem_shared>> -> memref<128x128xf32, #tpu.memory_space<vmem_shared>>
      tpu.enqueue_dma source(%arg10 : memref<128x128xf32, #tpu.memory_space<vmem>>) target(%dma_start3A_43 : memref<128x128xf32, #tpu.memory_space<vmem_shared>>) target_semaphore(%run_scoped3A : memref<!tpu.dma_semaphore, #tpu.memory_space<semaphore_mem>>)
      %dma_wait3A = arith.constant 0 : i32
      %dma_wait3A_44 = tpu.memref_slice %arg14[%add3A_10, %dma_wait3A] : memref<10240x128xf32, #tpu.memory_space<vmem_shared>> -> memref<128x128xf32, #tpu.memory_space<vmem_shared>>
      %dma_wait3A_45 = arith.constant 0 : i32
      %dma_wait3A_46 = tpu.memref_slice %arg14[%add3A_10, %dma_wait3A_45] : memref<10240x128xf32, #tpu.memory_space<vmem_shared>> -> memref<128x128xf32, #tpu.memory_space<vmem_shared>>
      tpu.wait_dma2 semaphore(%run_scoped3A : memref<!tpu.dma_semaphore, #tpu.memory_space<semaphore_mem>>) src(%arg10 : memref<128x128xf32, #tpu.memory_space<vmem>>) dst(%dma_wait3A_46 : memref<128x128xf32, #tpu.memory_space<vmem_shared>>)
      tpu.yield
    }) : () -> ()
    %mul3A_11 = arith.constant 640 : i32
    %mul3A_12 = arith.muli %arg1, %mul3A_11 : i32
    %add3A_13 = arith.constant 256 : i32
    %add3A_14 = arith.addi %mul3A_12, %add3A_13 : i32
    "tpu.region"() ({
      %run_scoped3A = tpu.sem_alloc : memref<!tpu.dma_semaphore, #tpu.memory_space<semaphore_mem>>
      %dma_start3A = arith.constant 0 : i32
      %dma_start3A_41 = tpu.memref_slice %arg14[%add3A_14, %dma_start3A] : memref<10240x128xf32, #tpu.memory_space<vmem_shared>> -> memref<128x128xf32, #tpu.memory_space<vmem_shared>>
      %dma_start3A_42 = arith.constant 0 : i32
      %dma_start3A_43 = tpu.memref_slice %arg14[%add3A_14, %dma_start3A_42] : memref<10240x128xf32, #tpu.memory_space<vmem_shared>> -> memref<128x128xf32, #tpu.memory_space<vmem_shared>>
      tpu.enqueue_dma source(%arg10 : memref<128x128xf32, #tpu.memory_space<vmem>>) target(%dma_start3A_43 : memref<128x128xf32, #tpu.memory_space<vmem_shared>>) target_semaphore(%run_scoped3A : memref<!tpu.dma_semaphore, #tpu.memory_space<semaphore_mem>>)
      %dma_wait3A = arith.constant 0 : i32
      %dma_wait3A_44 = tpu.memref_slice %arg14[%add3A_14, %dma_wait3A] : memref<10240x128xf32, #tpu.memory_space<vmem_shared>> -> memref<128x128xf32, #tpu.memory_space<vmem_shared>>
      %dma_wait3A_45 = arith.constant 0 : i32
      %dma_wait3A_46 = tpu.memref_slice %arg14[%add3A_14, %dma_wait3A_45] : memref<10240x128xf32, #tpu.memory_space<vmem_shared>> -> memref<128x128xf32, #tpu.memory_space<vmem_shared>>
      tpu.wait_dma2 semaphore(%run_scoped3A : memref<!tpu.dma_semaphore, #tpu.memory_space<semaphore_mem>>) src(%arg10 : memref<128x128xf32, #tpu.memory_space<vmem>>) dst(%dma_wait3A_46 : memref<128x128xf32, #tpu.memory_space<vmem_shared>>)
      tpu.yield
    }) : () -> ()
    %mul3A_15 = arith.constant 640 : i32
    %mul3A_16 = arith.muli %arg1, %mul3A_15 : i32
    %add3A_17 = arith.constant 384 : i32
    %add3A_18 = arith.addi %mul3A_16, %add3A_17 : i32
    "tpu.region"() ({
      %run_scoped3A = tpu.sem_alloc : memref<!tpu.dma_semaphore, #tpu.memory_space<semaphore_mem>>
      %dma_start3A = arith.constant 0 : i32
      %dma_start3A_41 = tpu.memref_slice %arg14[%add3A_18, %dma_start3A] : memref<10240x128xf32, #tpu.memory_space<vmem_shared>> -> memref<128x128xf32, #tpu.memory_space<vmem_shared>>
      %dma_start3A_42 = arith.constant 0 : i32
      %dma_start3A_43 = tpu.memref_slice %arg14[%add3A_18, %dma_start3A_42] : memref<10240x128xf32, #tpu.memory_space<vmem_shared>> -> memref<128x128xf32, #tpu.memory_space<vmem_shared>>
      tpu.enqueue_dma source(%arg10 : memref<128x128xf32, #tpu.memory_space<vmem>>) target(%dma_start3A_43 : memref<128x128xf32, #tpu.memory_space<vmem_shared>>) target_semaphore(%run_scoped3A : memref<!tpu.dma_semaphore, #tpu.memory_space<semaphore_mem>>)
      %dma_wait3A = arith.constant 0 : i32
      %dma_wait3A_44 = tpu.memref_slice %arg14[%add3A_18, %dma_wait3A] : memref<10240x128xf32, #tpu.memory_space<vmem_shared>> -> memref<128x128xf32, #tpu.memory_space<vmem_shared>>
      %dma_wait3A_45 = arith.constant 0 : i32
      %dma_wait3A_46 = tpu.memref_slice %arg14[%add3A_18, %dma_wait3A_45] : memref<10240x128xf32, #tpu.memory_space<vmem_shared>> -> memref<128x128xf32, #tpu.memory_space<vmem_shared>>
      tpu.wait_dma2 semaphore(%run_scoped3A : memref<!tpu.dma_semaphore, #tpu.memory_space<semaphore_mem>>) src(%arg10 : memref<128x128xf32, #tpu.memory_space<vmem>>) dst(%dma_wait3A_46 : memref<128x128xf32, #tpu.memory_space<vmem_shared>>)
      tpu.yield
    }) : () -> ()
    %mul3A_19 = arith.constant 640 : i32
    %mul3A_20 = arith.muli %arg1, %mul3A_19 : i32
    %add3A_21 = arith.constant 512 : i32
    %add3A_22 = arith.addi %mul3A_20, %add3A_21 : i32
    "tpu.region"() ({
      %run_scoped3A = tpu.sem_alloc : memref<!tpu.dma_semaphore, #tpu.memory_space<semaphore_mem>>
      %dma_start3A = arith.constant 0 : i32
      %dma_start3A_41 = tpu.memref_slice %arg14[%add3A_22, %dma_start3A] : memref<10240x128xf32, #tpu.memory_space<vmem_shared>> -> memref<128x128xf32, #tpu.memory_space<vmem_shared>>
      %dma_start3A_42 = arith.constant 0 : i32
      %dma_start3A_43 = tpu.memref_slice %arg14[%add3A_22, %dma_start3A_42] : memref<10240x128xf32, #tpu.memory_space<vmem_shared>> -> memref<128x128xf32, #tpu.memory_space<vmem_shared>>
      tpu.enqueue_dma source(%arg10 : memref<128x128xf32, #tpu.memory_space<vmem>>) target(%dma_start3A_43 : memref<128x128xf32, #tpu.memory_space<vmem_shared>>) target_semaphore(%run_scoped3A : memref<!tpu.dma_semaphore, #tpu.memory_space<semaphore_mem>>)
      %dma_wait3A = arith.constant 0 : i32
      %dma_wait3A_44 = tpu.memref_slice %arg14[%add3A_22, %dma_wait3A] : memref<10240x128xf32, #tpu.memory_space<vmem_shared>> -> memref<128x128xf32, #tpu.memory_space<vmem_shared>>
      %dma_wait3A_45 = arith.constant 0 : i32
      %dma_wait3A_46 = tpu.memref_slice %arg14[%add3A_22, %dma_wait3A_45] : memref<10240x128xf32, #tpu.memory_space<vmem_shared>> -> memref<128x128xf32, #tpu.memory_space<vmem_shared>>
      tpu.wait_dma2 semaphore(%run_scoped3A : memref<!tpu.dma_semaphore, #tpu.memory_space<semaphore_mem>>) src(%arg10 : memref<128x128xf32, #tpu.memory_space<vmem>>) dst(%dma_wait3A_46 : memref<128x128xf32, #tpu.memory_space<vmem_shared>>)
      tpu.yield
    }) : () -> ()
    %barrier3A = arith.constant 0 : index
    tpu.barrier barrier_id(%barrier3A)
    %mul3A_23 = arith.constant 160 : i32
    %mul3A_24 = arith.muli %arg1, %mul3A_23 : i32
    %scan3A_25 = arith.constant 0 : i32
    %scan3A_26 = arith.constant 0 : i32
    %scan3A_27 = arith.constant 4 : i32
    %scan3A_28 = arith.addi %scan3A_26, %scan3A_27 : i32
    %scan3A_29 = arith.constant 1 : i32
    scf.for %scan3A_41 = %scan3A_26 to %scan3A_28 step %scan3A_29  : i32 {
      %mul3A_42 = arith.constant 40 : i32
      %mul3A_43 = arith.muli %scan3A_41, %mul3A_42 : i32
      %add3A_44 = arith.addi %mul3A_24, %mul3A_43 : i32
      "tpu.region"() ({
        %run_scoped3A = tpu.sem_alloc : memref<!tpu.dma_semaphore, #tpu.memory_space<semaphore_mem>>
        %dma_start3A = arith.constant 0 : i32
        %dma_start3A_61 = tpu.memref_slice %arg4[%add3A_44, %dma_start3A] : memref<2560x128xi32, #tpu.memory_space<hbm>> -> memref<40x128xi32, #tpu.memory_space<hbm>>
        %dma_start3A_62 = arith.constant 0 : i32
        %dma_start3A_63 = tpu.memref_slice %arg4[%add3A_44, %dma_start3A_62] : memref<2560x128xi32, #tpu.memory_space<hbm>> -> memref<40x128xi32, #tpu.memory_space<hbm>>
        tpu.enqueue_dma source(%dma_start3A_63 : memref<40x128xi32, #tpu.memory_space<hbm>>) target(%arg8 : memref<40x128xi32, #tpu.memory_space<vmem>>) target_semaphore(%run_scoped3A : memref<!tpu.dma_semaphore, #tpu.memory_space<semaphore_mem>>)
        %dma_wait3A = arith.constant 0 : i32
        %dma_wait3A_64 = tpu.memref_slice %arg4[%add3A_44, %dma_wait3A] : memref<2560x128xi32, #tpu.memory_space<hbm>> -> memref<40x128xi32, #tpu.memory_space<hbm>>
        %dma_wait3A_65 = arith.constant 0 : i32
        %dma_wait3A_66 = tpu.memref_slice %arg4[%add3A_44, %dma_wait3A_65] : memref<2560x128xi32, #tpu.memory_space<hbm>> -> memref<40x128xi32, #tpu.memory_space<hbm>>
        tpu.wait_dma2 semaphore(%run_scoped3A : memref<!tpu.dma_semaphore, #tpu.memory_space<semaphore_mem>>) src(%dma_wait3A_66 : memref<40x128xi32, #tpu.memory_space<hbm>>) dst(%arg8 : memref<40x128xi32, #tpu.memory_space<vmem>>)
        tpu.yield
      }) : () -> ()
      "tpu.region"() ({
        %run_scoped3A = tpu.sem_alloc : memref<!tpu.dma_semaphore, #tpu.memory_space<semaphore_mem>>
        %dma_start3A = arith.constant 0 : i32
        %dma_start3A_61 = tpu.memref_slice %arg5[%add3A_44, %dma_start3A] : memref<2560x128xi32, #tpu.memory_space<hbm>> -> memref<40x128xi32, #tpu.memory_space<hbm>>
        %dma_start3A_62 = arith.constant 0 : i32
        %dma_start3A_63 = tpu.memref_slice %arg5[%add3A_44, %dma_start3A_62] : memref<2560x128xi32, #tpu.memory_space<hbm>> -> memref<40x128xi32, #tpu.memory_space<hbm>>
        tpu.enqueue_dma source(%dma_start3A_63 : memref<40x128xi32, #tpu.memory_space<hbm>>) target(%arg9 : memref<40x128xi32, #tpu.memory_space<vmem>>) target_semaphore(%run_scoped3A : memref<!tpu.dma_semaphore, #tpu.memory_space<semaphore_mem>>)
        %dma_wait3A = arith.constant 0 : i32
        %dma_wait3A_64 = tpu.memref_slice %arg5[%add3A_44, %dma_wait3A] : memref<2560x128xi32, #tpu.memory_space<hbm>> -> memref<40x128xi32, #tpu.memory_space<hbm>>
        %dma_wait3A_65 = arith.constant 0 : i32
        %dma_wait3A_66 = tpu.memref_slice %arg5[%add3A_44, %dma_wait3A_65] : memref<2560x128xi32, #tpu.memory_space<hbm>> -> memref<40x128xi32, #tpu.memory_space<hbm>>
        tpu.wait_dma2 semaphore(%run_scoped3A : memref<!tpu.dma_semaphore, #tpu.memory_space<semaphore_mem>>) src(%dma_wait3A_66 : memref<40x128xi32, #tpu.memory_space<hbm>>) dst(%arg9 : memref<40x128xi32, #tpu.memory_space<vmem>>)
        tpu.yield
      }) : () -> ()
      %eq3A_45 = arith.constant 0 : i32
      %eq3A_46 = arith.cmpi eq, %arg0, %eq3A_45 : i32
      %convert_element_type3A_47 = arith.extui %eq3A_46 : i1 to i32
      %cond3A_48 = arith.constant 0 : i32
      %cond3A_49 = arith.cmpi ne, %convert_element_type3A_47, %cond3A_48 : i32
      scf.if %cond3A_49 {
        %dma_start3A = arith.constant 0 : i32
        %dma_start3A_61 = arith.constant 0 : i32
        %dma_start3A_62 = tpu.memref_slice %arg8[%dma_start3A, %dma_start3A_61] : memref<40x128xi32, #tpu.memory_space<vmem>> -> memref<1x128xi32, #tpu.memory_space<vmem>>
        %dma_start3A_63 = tpu.memref_squeeze %dma_start3A_62 : memref<1x128xi32, #tpu.memory_space<vmem>> -> memref<128xi32, #tpu.memory_space<vmem>>
        %dma_start3A_64 = arith.constant 0 : i32
        %dma_start3A_65 = arith.constant 0 : i32
        %dma_start3A_66 = tpu.memref_slice %arg2[%dma_start3A_64, %dma_start3A_65] : memref<10240x128xf32, #tpu.memory_space<hbm>> -> memref<10240x128xf32, #tpu.memory_space<hbm>>
        tpu.enqueue_indirect_dma source(%dma_start3A_66 : memref<10240x128xf32, #tpu.memory_space<hbm>>) target(%arg10 : memref<128x128xf32, #tpu.memory_space<vmem>>) offsets(%dma_start3A_63 : memref<128xi32, #tpu.memory_space<vmem>>) semaphore(%arg12 : memref<!tpu.dma_semaphore, #tpu.memory_space<semaphore_mem>>)
      } else {
      }
      %eq3A_50 = arith.constant 1 : i32
      %eq3A_51 = arith.cmpi eq, %arg0, %eq3A_50 : i32
      %convert_element_type3A_52 = arith.extui %eq3A_51 : i1 to i32
      %cond3A_53 = arith.constant 0 : i32
      %cond3A_54 = arith.cmpi ne, %convert_element_type3A_52, %cond3A_53 : i32
      scf.if %cond3A_54 {
        %dma_start3A = arith.constant 0 : i32
        %dma_start3A_61 = arith.constant 0 : i32
        %dma_start3A_62 = tpu.memref_slice %arg8[%dma_start3A, %dma_start3A_61] : memref<40x128xi32, #tpu.memory_space<vmem>> -> memref<1x128xi32, #tpu.memory_space<vmem>>
        %dma_start3A_63 = tpu.memref_squeeze %dma_start3A_62 : memref<1x128xi32, #tpu.memory_space<vmem>> -> memref<128xi32, #tpu.memory_space<vmem>>
        %dma_start3A_64 = arith.constant 0 : i32
        %dma_start3A_65 = arith.constant 0 : i32
        %dma_start3A_66 = tpu.memref_slice %arg3[%dma_start3A_64, %dma_start3A_65] : memref<10240x128xf32, #tpu.memory_space<hbm>> -> memref<10240x128xf32, #tpu.memory_space<hbm>>
        tpu.enqueue_indirect_dma source(%dma_start3A_66 : memref<10240x128xf32, #tpu.memory_space<hbm>>) target(%arg10 : memref<128x128xf32, #tpu.memory_space<vmem>>) offsets(%dma_start3A_63 : memref<128xi32, #tpu.memory_space<vmem>>) semaphore(%arg12 : memref<!tpu.dma_semaphore, #tpu.memory_space<semaphore_mem>>)
      } else {
      }
      %scan3A_55 = arith.constant 0 : i32
      %scan3A_56 = arith.constant 0 : i32
      %scan3A_57 = arith.constant 20 : i32
      %scan3A_58 = arith.addi %scan3A_56, %scan3A_57 : i32
      %scan3A_59 = arith.constant 1 : i32
      scf.for %scan3A_61 = %scan3A_56 to %scan3A_58 step %scan3A_59  : i32 {
        %mul3A_62 = arith.constant 2 : i32
        %mul3A_63 = arith.muli %scan3A_61, %mul3A_62 : i32
        %add3A_64 = arith.constant 1 : i32
        %add3A_65 = arith.addi %mul3A_63, %add3A_64 : i32
        %eq3A_66 = arith.constant 0 : i32
        %eq3A_67 = arith.cmpi eq, %arg0, %eq3A_66 : i32
        %convert_element_type3A_68 = arith.extui %eq3A_67 : i1 to i32
        %cond3A_69 = arith.constant 0 : i32
        %cond3A_70 = arith.cmpi ne, %convert_element_type3A_68, %cond3A_69 : i32
        scf.if %cond3A_70 {
          %dma_start3A = arith.constant 0 : i32
          %dma_start3A_97 = tpu.memref_slice %arg8[%add3A_65, %dma_start3A] : memref<40x128xi32, #tpu.memory_space<vmem>> -> memref<1x128xi32, #tpu.memory_space<vmem>>
          %dma_start3A_98 = tpu.memref_squeeze %dma_start3A_97 : memref<1x128xi32, #tpu.memory_space<vmem>> -> memref<128xi32, #tpu.memory_space<vmem>>
          %dma_start3A_99 = arith.constant 0 : i32
          %dma_start3A_100 = arith.constant 0 : i32
          %dma_start3A_101 = tpu.memref_slice %arg2[%dma_start3A_99, %dma_start3A_100] : memref<10240x128xf32, #tpu.memory_space<hbm>> -> memref<10240x128xf32, #tpu.memory_space<hbm>>
          tpu.enqueue_indirect_dma source(%dma_start3A_101 : memref<10240x128xf32, #tpu.memory_space<hbm>>) target(%arg11 : memref<128x128xf32, #tpu.memory_space<vmem>>) offsets(%dma_start3A_98 : memref<128xi32, #tpu.memory_space<vmem>>) semaphore(%arg13 : memref<!tpu.dma_semaphore, #tpu.memory_space<semaphore_mem>>)
        } else {
        }
        %eq3A_71 = arith.constant 1 : i32
        %eq3A_72 = arith.cmpi eq, %arg0, %eq3A_71 : i32
        %convert_element_type3A_73 = arith.extui %eq3A_72 : i1 to i32
        %cond3A_74 = arith.constant 0 : i32
        %cond3A_75 = arith.cmpi ne, %convert_element_type3A_73, %cond3A_74 : i32
        scf.if %cond3A_75 {
          %dma_start3A = arith.constant 0 : i32
          %dma_start3A_97 = tpu.memref_slice %arg8[%add3A_65, %dma_start3A] : memref<40x128xi32, #tpu.memory_space<vmem>> -> memref<1x128xi32, #tpu.memory_space<vmem>>
          %dma_start3A_98 = tpu.memref_squeeze %dma_start3A_97 : memref<1x128xi32, #tpu.memory_space<vmem>> -> memref<128xi32, #tpu.memory_space<vmem>>
          %dma_start3A_99 = arith.constant 0 : i32
          %dma_start3A_100 = arith.constant 0 : i32
          %dma_start3A_101 = tpu.memref_slice %arg3[%dma_start3A_99, %dma_start3A_100] : memref<10240x128xf32, #tpu.memory_space<hbm>> -> memref<10240x128xf32, #tpu.memory_space<hbm>>
          tpu.enqueue_indirect_dma source(%dma_start3A_101 : memref<10240x128xf32, #tpu.memory_space<hbm>>) target(%arg11 : memref<128x128xf32, #tpu.memory_space<vmem>>) offsets(%dma_start3A_98 : memref<128xi32, #tpu.memory_space<vmem>>) semaphore(%arg13 : memref<!tpu.dma_semaphore, #tpu.memory_space<semaphore_mem>>)
        } else {
        }
        %dma_wait3A = arith.constant 0 : i32
        %dma_wait3A_76 = arith.constant 0 : i32
        %dma_wait3A_77 = tpu.memref_slice %arg8[%dma_wait3A, %dma_wait3A_76] : memref<40x128xi32, #tpu.memory_space<vmem>> -> memref<1x128xi32, #tpu.memory_space<vmem>>
        %dma_wait3A_78 = tpu.memref_squeeze %dma_wait3A_77 : memref<1x128xi32, #tpu.memory_space<vmem>> -> memref<128xi32, #tpu.memory_space<vmem>>
        %dma_wait3A_79 = arith.constant 0 : i32
        %dma_wait3A_80 = arith.constant 0 : i32
        %dma_wait3A_81 = tpu.memref_slice %arg2[%dma_wait3A_79, %dma_wait3A_80] : memref<10240x128xf32, #tpu.memory_space<hbm>> -> memref<10240x128xf32, #tpu.memory_space<hbm>>
        tpu.wait_indirect_dma semaphore(%arg12 : memref<!tpu.dma_semaphore, #tpu.memory_space<semaphore_mem>>) src(%dma_wait3A_81 : memref<10240x128xf32, #tpu.memory_space<hbm>>) dst(%arg10 : memref<128x128xf32, #tpu.memory_space<vmem>>)
        "tpu.region"() ({
          %run_scoped3A = tpu.sem_alloc : memref<!tpu.dma_semaphore, #tpu.memory_space<semaphore_mem>>
          %dma_start3A = arith.constant 0 : i32
          %dma_start3A_97 = tpu.memref_slice %arg9[%mul3A_63, %dma_start3A] : memref<40x128xi32, #tpu.memory_space<vmem>> -> memref<1x128xi32, #tpu.memory_space<vmem>>
          %dma_start3A_98 = tpu.memref_squeeze %dma_start3A_97 : memref<1x128xi32, #tpu.memory_space<vmem>> -> memref<128xi32, #tpu.memory_space<vmem>>
          %dma_start3A_99 = arith.constant 0 : i32
          %dma_start3A_100 = arith.constant 0 : i32
          %dma_start3A_101 = tpu.memref_slice %arg14[%dma_start3A_99, %dma_start3A_100] : memref<10240x128xf32, #tpu.memory_space<vmem_shared>> -> memref<10240x128xf32, #tpu.memory_space<vmem_shared>>
          tpu.enqueue_indirect_dma source(%arg10 : memref<128x128xf32, #tpu.memory_space<vmem>>) target(%dma_start3A_101 : memref<10240x128xf32, #tpu.memory_space<vmem_shared>>) offsets(%dma_start3A_98 : memref<128xi32, #tpu.memory_space<vmem>>) semaphore(%run_scoped3A : memref<!tpu.dma_semaphore, #tpu.memory_space<semaphore_mem>>) {add = true}
          %dma_wait3A_102 = arith.constant 0 : i32
          %dma_wait3A_103 = tpu.memref_slice %arg9[%mul3A_63, %dma_wait3A_102] : memref<40x128xi32, #tpu.memory_space<vmem>> -> memref<1x128xi32, #tpu.memory_space<vmem>>
          %dma_wait3A_104 = tpu.memref_squeeze %dma_wait3A_103 : memref<1x128xi32, #tpu.memory_space<vmem>> -> memref<128xi32, #tpu.memory_space<vmem>>
          %dma_wait3A_105 = arith.constant 0 : i32
          %dma_wait3A_106 = arith.constant 0 : i32
          %dma_wait3A_107 = tpu.memref_slice %arg14[%dma_wait3A_105, %dma_wait3A_106] : memref<10240x128xf32, #tpu.memory_space<vmem_shared>> -> memref<10240x128xf32, #tpu.memory_space<vmem_shared>>
          tpu.wait_indirect_dma semaphore(%run_scoped3A : memref<!tpu.dma_semaphore, #tpu.memory_space<semaphore_mem>>) src(%arg10 : memref<128x128xf32, #tpu.memory_space<vmem>>) dst(%dma_wait3A_107 : memref<10240x128xf32, #tpu.memory_space<vmem_shared>>)
          tpu.yield
        }) : () -> ()
        %add3A_82 = arith.constant 2 : i32
        %add3A_83 = arith.addi %mul3A_63, %add3A_82 : i32
        %lt3A = arith.constant 40 : i32
        %lt3A_84 = arith.cmpi slt, %add3A_83, %lt3A : i32
        %convert_element_type3A_85 = arith.extui %lt3A_84 : i1 to i32
        %cond3A_86 = arith.constant 0 : i32
        %cond3A_87 = arith.cmpi ne, %convert_element_type3A_85, %cond3A_86 : i32
        scf.if %cond3A_87 {
          %add3A_97 = arith.constant 2 : i32
          %add3A_98 = arith.addi %mul3A_63, %add3A_97 : i32
          %eq3A_99 = arith.constant 0 : i32
          %eq3A_100 = arith.cmpi eq, %arg0, %eq3A_99 : i32
          %convert_element_type3A_101 = arith.extui %eq3A_100 : i1 to i32
          %cond3A_102 = arith.constant 0 : i32
          %cond3A_103 = arith.cmpi ne, %convert_element_type3A_101, %cond3A_102 : i32
          scf.if %cond3A_103 {
            %dma_start3A = arith.constant 0 : i32
            %dma_start3A_109 = tpu.memref_slice %arg8[%add3A_98, %dma_start3A] : memref<40x128xi32, #tpu.memory_space<vmem>> -> memref<1x128xi32, #tpu.memory_space<vmem>>
            %dma_start3A_110 = tpu.memref_squeeze %dma_start3A_109 : memref<1x128xi32, #tpu.memory_space<vmem>> -> memref<128xi32, #tpu.memory_space<vmem>>
            %dma_start3A_111 = arith.constant 0 : i32
            %dma_start3A_112 = arith.constant 0 : i32
            %dma_start3A_113 = tpu.memref_slice %arg2[%dma_start3A_111, %dma_start3A_112] : memref<10240x128xf32, #tpu.memory_space<hbm>> -> memref<10240x128xf32, #tpu.memory_space<hbm>>
            tpu.enqueue_indirect_dma source(%dma_start3A_113 : memref<10240x128xf32, #tpu.memory_space<hbm>>) target(%arg10 : memref<128x128xf32, #tpu.memory_space<vmem>>) offsets(%dma_start3A_110 : memref<128xi32, #tpu.memory_space<vmem>>) semaphore(%arg12 : memref<!tpu.dma_semaphore, #tpu.memory_space<semaphore_mem>>)
          } else {
          }
          %eq3A_104 = arith.constant 1 : i32
          %eq3A_105 = arith.cmpi eq, %arg0, %eq3A_104 : i32
          %convert_element_type3A_106 = arith.extui %eq3A_105 : i1 to i32
          %cond3A_107 = arith.constant 0 : i32
          %cond3A_108 = arith.cmpi ne, %convert_element_type3A_106, %cond3A_107 : i32
          scf.if %cond3A_108 {
            %dma_start3A = arith.constant 0 : i32
            %dma_start3A_109 = tpu.memref_slice %arg8[%add3A_98, %dma_start3A] : memref<40x128xi32, #tpu.memory_space<vmem>> -> memref<1x128xi32, #tpu.memory_space<vmem>>
            %dma_start3A_110 = tpu.memref_squeeze %dma_start3A_109 : memref<1x128xi32, #tpu.memory_space<vmem>> -> memref<128xi32, #tpu.memory_space<vmem>>
            %dma_start3A_111 = arith.constant 0 : i32
            %dma_start3A_112 = arith.constant 0 : i32
            %dma_start3A_113 = tpu.memref_slice %arg3[%dma_start3A_111, %dma_start3A_112] : memref<10240x128xf32, #tpu.memory_space<hbm>> -> memref<10240x128xf32, #tpu.memory_space<hbm>>
            tpu.enqueue_indirect_dma source(%dma_start3A_113 : memref<10240x128xf32, #tpu.memory_space<hbm>>) target(%arg10 : memref<128x128xf32, #tpu.memory_space<vmem>>) offsets(%dma_start3A_110 : memref<128xi32, #tpu.memory_space<vmem>>) semaphore(%arg12 : memref<!tpu.dma_semaphore, #tpu.memory_space<semaphore_mem>>)
          } else {
          }
        } else {
        }
        %dma_wait3A_88 = arith.constant 0 : i32
        %dma_wait3A_89 = arith.constant 0 : i32
        %dma_wait3A_90 = tpu.memref_slice %arg8[%dma_wait3A_88, %dma_wait3A_89] : memref<40x128xi32, #tpu.memory_space<vmem>> -> memref<1x128xi32, #tpu.memory_space<vmem>>
        %dma_wait3A_91 = tpu.memref_squeeze %dma_wait3A_90 : memref<1x128xi32, #tpu.memory_space<vmem>> -> memref<128xi32, #tpu.memory_space<vmem>>
        %dma_wait3A_92 = arith.constant 0 : i32
        %dma_wait3A_93 = arith.constant 0 : i32
        %dma_wait3A_94 = tpu.memref_slice %arg2[%dma_wait3A_92, %dma_wait3A_93] : memref<10240x128xf32, #tpu.memory_space<hbm>> -> memref<10240x128xf32, #tpu.memory_space<hbm>>
        tpu.wait_indirect_dma semaphore(%arg13 : memref<!tpu.dma_semaphore, #tpu.memory_space<semaphore_mem>>) src(%dma_wait3A_94 : memref<10240x128xf32, #tpu.memory_space<hbm>>) dst(%arg11 : memref<128x128xf32, #tpu.memory_space<vmem>>)
        %add3A_95 = arith.constant 1 : i32
        %add3A_96 = arith.addi %mul3A_63, %add3A_95 : i32
        "tpu.region"() ({
          %run_scoped3A = tpu.sem_alloc : memref<!tpu.dma_semaphore, #tpu.memory_space<semaphore_mem>>
          %dma_start3A = arith.constant 0 : i32
          %dma_start3A_97 = tpu.memref_slice %arg9[%add3A_96, %dma_start3A] : memref<40x128xi32, #tpu.memory_space<vmem>> -> memref<1x128xi32, #tpu.memory_space<vmem>>
          %dma_start3A_98 = tpu.memref_squeeze %dma_start3A_97 : memref<1x128xi32, #tpu.memory_space<vmem>> -> memref<128xi32, #tpu.memory_space<vmem>>
          %dma_start3A_99 = arith.constant 0 : i32
          %dma_start3A_100 = arith.constant 0 : i32
          %dma_start3A_101 = tpu.memref_slice %arg14[%dma_start3A_99, %dma_start3A_100] : memref<10240x128xf32, #tpu.memory_space<vmem_shared>> -> memref<10240x128xf32, #tpu.memory_space<vmem_shared>>
          tpu.enqueue_indirect_dma source(%arg11 : memref<128x128xf32, #tpu.memory_space<vmem>>) target(%dma_start3A_101 : memref<10240x128xf32, #tpu.memory_space<vmem_shared>>) offsets(%dma_start3A_98 : memref<128xi32, #tpu.memory_space<vmem>>) semaphore(%run_scoped3A : memref<!tpu.dma_semaphore, #tpu.memory_space<semaphore_mem>>) {add = true}
          %dma_wait3A_102 = arith.constant 0 : i32
          %dma_wait3A_103 = tpu.memref_slice %arg9[%add3A_96, %dma_wait3A_102] : memref<40x128xi32, #tpu.memory_space<vmem>> -> memref<1x128xi32, #tpu.memory_space<vmem>>
          %dma_wait3A_104 = tpu.memref_squeeze %dma_wait3A_103 : memref<1x128xi32, #tpu.memory_space<vmem>> -> memref<128xi32, #tpu.memory_space<vmem>>
          %dma_wait3A_105 = arith.constant 0 : i32
          %dma_wait3A_106 = arith.constant 0 : i32
          %dma_wait3A_107 = tpu.memref_slice %arg14[%dma_wait3A_105, %dma_wait3A_106] : memref<10240x128xf32, #tpu.memory_space<vmem_shared>> -> memref<10240x128xf32, #tpu.memory_space<vmem_shared>>
          tpu.wait_indirect_dma semaphore(%run_scoped3A : memref<!tpu.dma_semaphore, #tpu.memory_space<semaphore_mem>>) src(%arg11 : memref<128x128xf32, #tpu.memory_space<vmem>>) dst(%dma_wait3A_107 : memref<10240x128xf32, #tpu.memory_space<vmem_shared>>)
          tpu.yield
        }) : () -> ()
      }
      %scan3A_60 = arith.constant 20 : i32
    }
    %scan3A_30 = arith.constant 4 : i32
    %barrier3A_31 = arith.constant 0 : index
    tpu.barrier barrier_id(%barrier3A_31)
    %mul3A_32 = arith.constant 640 : i32
    %mul3A_33 = arith.muli %arg1, %mul3A_32 : i32
    %eq3A = arith.constant 0 : i32
    %eq3A_34 = arith.cmpi eq, %arg0, %eq3A : i32
    %convert_element_type3A = arith.extui %eq3A_34 : i1 to i32
    %cond3A = arith.constant 0 : i32
    %cond3A_35 = arith.cmpi ne, %convert_element_type3A, %cond3A : i32
    scf.if %cond3A_35 {
      "tpu.region"() ({
        %run_scoped3A = tpu.sem_alloc : memref<!tpu.dma_semaphore, #tpu.memory_space<semaphore_mem>>
        %dma_start3A = arith.constant 0 : i32
        %dma_start3A_41 = tpu.memref_slice %arg6[%mul3A_33, %dma_start3A] : memref<10240x128xf32, #tpu.memory_space<hbm>> -> memref<640x128xf32, #tpu.memory_space<hbm>>
        %dma_start3A_42 = arith.constant 0 : i32
        %dma_start3A_43 = tpu.memref_slice %arg14[%mul3A_33, %dma_start3A_42] : memref<10240x128xf32, #tpu.memory_space<vmem_shared>> -> memref<640x128xf32, #tpu.memory_space<vmem_shared>>
        tpu.enqueue_dma source(%dma_start3A_43 : memref<640x128xf32, #tpu.memory_space<vmem_shared>>) target(%dma_start3A_41 : memref<640x128xf32, #tpu.memory_space<hbm>>) target_semaphore(%run_scoped3A : memref<!tpu.dma_semaphore, #tpu.memory_space<semaphore_mem>>)
        %dma_wait3A = arith.constant 0 : i32
        %dma_wait3A_44 = tpu.memref_slice %arg6[%mul3A_33, %dma_wait3A] : memref<10240x128xf32, #tpu.memory_space<hbm>> -> memref<640x128xf32, #tpu.memory_space<hbm>>
        %dma_wait3A_45 = arith.constant 0 : i32
        %dma_wait3A_46 = tpu.memref_slice %arg14[%mul3A_33, %dma_wait3A_45] : memref<10240x128xf32, #tpu.memory_space<vmem_shared>> -> memref<640x128xf32, #tpu.memory_space<vmem_shared>>
        tpu.wait_dma2 semaphore(%run_scoped3A : memref<!tpu.dma_semaphore, #tpu.memory_space<semaphore_mem>>) src(%dma_wait3A_46 : memref<640x128xf32, #tpu.memory_space<vmem_shared>>) dst(%dma_wait3A_44 : memref<640x128xf32, #tpu.memory_space<hbm>>)
        tpu.yield
      }) : () -> ()
    } else {
    }
    %eq3A_36 = arith.constant 1 : i32
    %eq3A_37 = arith.cmpi eq, %arg0, %eq3A_36 : i32
    %convert_element_type3A_38 = arith.extui %eq3A_37 : i1 to i32
    %cond3A_39 = arith.constant 0 : i32
    %cond3A_40 = arith.cmpi ne, %convert_element_type3A_38, %cond3A_39 : i32
    scf.if %cond3A_40 {
      "tpu.region"() ({
        %run_scoped3A = tpu.sem_alloc : memref<!tpu.dma_semaphore, #tpu.memory_space<semaphore_mem>>
        %dma_start3A = arith.constant 0 : i32
        %dma_start3A_41 = tpu.memref_slice %arg7[%mul3A_33, %dma_start3A] : memref<10240x128xf32, #tpu.memory_space<hbm>> -> memref<640x128xf32, #tpu.memory_space<hbm>>
        %dma_start3A_42 = arith.constant 0 : i32
        %dma_start3A_43 = tpu.memref_slice %arg14[%mul3A_33, %dma_start3A_42] : memref<10240x128xf32, #tpu.memory_space<vmem_shared>> -> memref<640x128xf32, #tpu.memory_space<vmem_shared>>
        tpu.enqueue_dma source(%dma_start3A_43 : memref<640x128xf32, #tpu.memory_space<vmem_shared>>) target(%dma_start3A_41 : memref<640x128xf32, #tpu.memory_space<hbm>>) target_semaphore(%run_scoped3A : memref<!tpu.dma_semaphore, #tpu.memory_space<semaphore_mem>>)
        %dma_wait3A = arith.constant 0 : i32
        %dma_wait3A_44 = tpu.memref_slice %arg7[%mul3A_33, %dma_wait3A] : memref<10240x128xf32, #tpu.memory_space<hbm>> -> memref<640x128xf32, #tpu.memory_space<hbm>>
        %dma_wait3A_45 = arith.constant 0 : i32
        %dma_wait3A_46 = tpu.memref_slice %arg14[%mul3A_33, %dma_wait3A_45] : memref<10240x128xf32, #tpu.memory_space<vmem_shared>> -> memref<640x128xf32, #tpu.memory_space<vmem_shared>>
        tpu.wait_dma2 semaphore(%run_scoped3A : memref<!tpu.dma_semaphore, #tpu.memory_space<semaphore_mem>>) src(%dma_wait3A_46 : memref<640x128xf32, #tpu.memory_space<vmem_shared>>) dst(%dma_wait3A_44 : memref<640x128xf32, #tpu.memory_space<hbm>>)
        tpu.yield
      }) : () -> ()
    } else {
    }
    return
  }
}

#map = affine_map<(d0, d1) -> (0)>
#map1 = affine_map<(d0, d1) -> (0, 0)>
module attributes {stable_mosaic.version = 14 : i64} {
  func.func @deg_kernel(%arg0: i32, %arg1: i32, %arg2: memref<327680xi32, #tpu.memory_space<hbm>>, %arg3: memref<32x10240xf32, #tpu.memory_space<hbm>>, %arg4: memref<10240xf32, #tpu.memory_space<vmem>>, %arg5: memref<10240xi32, #tpu.memory_space<vmem>>) attributes {dimension_semantics = [#tpu.dimension_semantics<core_parallel>, #tpu.dimension_semantics<subcore_parallel>], iteration_bounds = array<i64: 2, 16>, scalar_prefetch = 0 : i64, scratch_operands = 2 : i64, tpu.core_type = #tpu.core_type<sc_vector_subcore>, window_params = [{transform_indices = #map}, {transform_indices = #map1}]} {
    %mul3A = arith.constant 16 : i32
    %mul3A_0 = arith.muli %arg0, %mul3A : i32
    %add3A = arith.addi %mul3A_0, %arg1 : i32
    %scan3A = arith.constant 0 : i32
    %scan3A_1 = arith.constant 0 : i32
    %scan3A_2 = arith.constant 640 : i32
    %scan3A_3 = arith.addi %scan3A_1, %scan3A_2 : i32
    %scan3A_4 = arith.constant 1 : i32
    scf.for %scan3A_15 = %scan3A_1 to %scan3A_3 step %scan3A_4  : i32 {
      %broadcast_in_dim3A_16 = arith.constant 0.000000e+00 : f32
      %broadcast_in_dim3A_17 = vector.broadcast %broadcast_in_dim3A_16 : f32 to vector<16xf32>
      %mul3A_18 = arith.constant 16 : i32
      %mul3A_19 = arith.muli %scan3A_15, %mul3A_18 : i32
      %swap3A = arith.index_cast %mul3A_19 : i32 to index
      %swap3A_20 = tpu.vector_load %arg4[%swap3A] {strides = array<i32>} : memref<10240xf32, #tpu.memory_space<vmem>>, vector<16xf32>,
      tpu.vector_store %arg4[%swap3A], %broadcast_in_dim3A_17 {strides = array<i32>} : memref<10240xf32, #tpu.memory_space<vmem>>, vector<16xf32>,
    }
    %scan3A_5 = arith.constant 640 : i32
    %mul3A_6 = arith.constant 10240 : i32
    %mul3A_7 = arith.muli %add3A, %mul3A_6 : i32
    "tpu.region"() ({
      %run_scoped3A = tpu.sem_alloc : memref<!tpu.dma_semaphore, #tpu.memory_space<semaphore_mem>>
      %dma_start3A = tpu.memref_slice %arg2[%mul3A_7] : memref<327680xi32, #tpu.memory_space<hbm>> -> memref<10240xi32, #tpu.memory_space<hbm>>
      %dma_start3A_15 = tpu.memref_slice %arg2[%mul3A_7] : memref<327680xi32, #tpu.memory_space<hbm>> -> memref<10240xi32, #tpu.memory_space<hbm>>
      tpu.enqueue_dma source(%dma_start3A_15 : memref<10240xi32, #tpu.memory_space<hbm>>) target(%arg5 : memref<10240xi32, #tpu.memory_space<vmem>>) target_semaphore(%run_scoped3A : memref<!tpu.dma_semaphore, #tpu.memory_space<semaphore_mem>>)
      %dma_wait3A = tpu.memref_slice %arg2[%mul3A_7] : memref<327680xi32, #tpu.memory_space<hbm>> -> memref<10240xi32, #tpu.memory_space<hbm>>
      %dma_wait3A_16 = tpu.memref_slice %arg2[%mul3A_7] : memref<327680xi32, #tpu.memory_space<hbm>> -> memref<10240xi32, #tpu.memory_space<hbm>>
      tpu.wait_dma2 semaphore(%run_scoped3A : memref<!tpu.dma_semaphore, #tpu.memory_space<semaphore_mem>>) src(%dma_wait3A_16 : memref<10240xi32, #tpu.memory_space<hbm>>) dst(%arg5 : memref<10240xi32, #tpu.memory_space<vmem>>)
      tpu.yield
    }) : () -> ()
    %broadcast_in_dim3A = arith.constant 1.000000e+00 : f32
    %broadcast_in_dim3A_8 = vector.broadcast %broadcast_in_dim3A : f32 to vector<16xf32>
    %scan3A_9 = arith.constant 0 : i32
    %scan3A_10 = arith.constant 0 : i32
    %scan3A_11 = arith.constant 640 : i32
    %scan3A_12 = arith.addi %scan3A_10, %scan3A_11 : i32
    %scan3A_13 = arith.constant 1 : i32
    scf.for %scan3A_15 = %scan3A_10 to %scan3A_12 step %scan3A_13  : i32 {
      %mul3A_16 = arith.constant 16 : i32
      %mul3A_17 = arith.muli %scan3A_15, %mul3A_16 : i32
      %get3A = arith.index_cast %mul3A_17 : i32 to index
      %get3A_18 = tpu.vector_load %arg5[%get3A] {strides = array<i32>} : memref<10240xi32, #tpu.memory_space<vmem>>, vector<16xi32>,
      tpu.vector_store_idx %arg4[%get3A_18], %broadcast_in_dim3A_8 {add = true} : memref<10240xf32, #tpu.memory_space<vmem>>[vector<16xi32>], vector<16xf32>,
    }
    %scan3A_14 = arith.constant 640 : i32
    "tpu.region"() ({
      %run_scoped3A = tpu.sem_alloc : memref<!tpu.dma_semaphore, #tpu.memory_space<semaphore_mem>>
      %dma_start3A = arith.constant 0 : i32
      %dma_start3A_15 = tpu.memref_slice %arg3[%add3A, %dma_start3A] : memref<32x10240xf32, #tpu.memory_space<hbm>> -> memref<1x10240xf32, #tpu.memory_space<hbm>>
      %dma_start3A_16 = tpu.memref_squeeze %dma_start3A_15 : memref<1x10240xf32, #tpu.memory_space<hbm>> -> memref<10240xf32, #tpu.memory_space<hbm>>
      %dma_start3A_17 = arith.constant 0 : i32
      %dma_start3A_18 = tpu.memref_slice %arg3[%add3A, %dma_start3A_17] : memref<32x10240xf32, #tpu.memory_space<hbm>> -> memref<1x10240xf32, #tpu.memory_space<hbm>>
      %dma_start3A_19 = tpu.memref_squeeze %dma_start3A_18 : memref<1x10240xf32, #tpu.memory_space<hbm>> -> memref<10240xf32, #tpu.memory_space<hbm>>
      tpu.enqueue_dma source(%arg4 : memref<10240xf32, #tpu.memory_space<vmem>>) target(%dma_start3A_19 : memref<10240xf32, #tpu.memory_space<hbm>>) target_semaphore(%run_scoped3A : memref<!tpu.dma_semaphore, #tpu.memory_space<semaphore_mem>>)
      %dma_wait3A = arith.constant 0 : i32
      %dma_wait3A_20 = tpu.memref_slice %arg3[%add3A, %dma_wait3A] : memref<32x10240xf32, #tpu.memory_space<hbm>> -> memref<1x10240xf32, #tpu.memory_space<hbm>>
      %dma_wait3A_21 = tpu.memref_squeeze %dma_wait3A_20 : memref<1x10240xf32, #tpu.memory_space<hbm>> -> memref<10240xf32, #tpu.memory_space<hbm>>
      %dma_wait3A_22 = arith.constant 0 : i32
      %dma_wait3A_23 = tpu.memref_slice %arg3[%add3A, %dma_wait3A_22] : memref<32x10240xf32, #tpu.memory_space<hbm>> -> memref<1x10240xf32, #tpu.memory_space<hbm>>
      %dma_wait3A_24 = tpu.memref_squeeze %dma_wait3A_23 : memref<1x10240xf32, #tpu.memory_space<hbm>> -> memref<10240xf32, #tpu.memory_space<hbm>>
      tpu.wait_dma2 semaphore(%run_scoped3A : memref<!tpu.dma_semaphore, #tpu.memory_space<semaphore_mem>>) src(%arg4 : memref<10240xf32, #tpu.memory_space<vmem>>) dst(%dma_wait3A_24 : memref<10240xf32, #tpu.memory_space<hbm>>)
      tpu.yield
    }) : () -> ()
    return
  }
}

#map = affine_map<(d0, d1) -> (0, 0)>
module attributes {stable_mosaic.version = 14 : i64} {
  func.func @scat_kernel(%arg0: i32, %arg1: i32, %arg2: memref<10240x128xf32, #tpu.memory_space<hbm>>, %arg3: memref<10240x128xf32, #tpu.memory_space<hbm>>, %arg4: memref<2560x128xi32, #tpu.memory_space<hbm>>, %arg5: memref<2560x128xi32, #tpu.memory_space<hbm>>, %arg6: memref<10240x128xf32, #tpu.memory_space<hbm>>, %arg7: memref<10240x128xf32, #tpu.memory_space<hbm>>, %arg8: memref<40x128xi32, #tpu.memory_space<vmem>>, %arg9: memref<40x128xi32, #tpu.memory_space<vmem>>, %arg10: memref<128x128xf32, #tpu.memory_space<vmem>>, %arg11: memref<128x128xf32, #tpu.memory_space<vmem>>, %arg12: memref<!tpu.dma_semaphore, #tpu.memory_space<semaphore_mem>>, %arg13: memref<!tpu.dma_semaphore, #tpu.memory_space<semaphore_mem>>, %arg14: memref<10240x128xf32, #tpu.memory_space<vmem_shared>>) attributes {dimension_semantics = [#tpu.dimension_semantics<core_parallel>, #tpu.dimension_semantics<subcore_parallel>], iteration_bounds = array<i64: 2, 16>, scalar_prefetch = 0 : i64, scratch_operands = 7 : i64, tpu.core_type = #tpu.core_type<sc_vector_subcore>, window_params = [{transform_indices = #map}, {transform_indices = #map}, {transform_indices = #map}, {transform_indices = #map}, {transform_indices = #map}, {transform_indices = #map}]} {
    %scan3A = arith.constant 0 : i32
    %scan3A_0 = arith.constant 0 : i32
    %scan3A_1 = arith.constant 1024 : i32
    %scan3A_2 = arith.addi %scan3A_0, %scan3A_1 : i32
    %scan3A_3 = arith.constant 1 : i32
    scf.for %scan3A_44 = %scan3A_0 to %scan3A_2 step %scan3A_3  : i32 {
      %broadcast_in_dim3A = arith.constant 0.000000e+00 : f32
      %broadcast_in_dim3A_45 = vector.broadcast %broadcast_in_dim3A : f32 to vector<16xf32>
      %jit3A = arith.constant 8 : i32
      %div3A = arith.divsi %scan3A_44, %jit3A : i32
      %sign3A = arith.constant 0 : i32
      %sign3A_46 = arith.cmpi sgt, %scan3A_44, %sign3A : i32
      %sign3A_47 = arith.extui %sign3A_46 : i1 to i32
      %sign3A_48 = arith.constant 0 : i32
      %sign3A_49 = arith.cmpi slt, %scan3A_44, %sign3A_48 : i32
      %sign3A_50 = arith.extui %sign3A_49 : i1 to i32
      %sign3A_51 = arith.subi %sign3A_47, %sign3A_50 : i32
      %sign3A_52 = arith.constant 0 : i32
      %sign3A_53 = arith.cmpi sgt, %jit3A, %sign3A_52 : i32
      %sign3A_54 = arith.extui %sign3A_53 : i1 to i32
      %sign3A_55 = arith.constant 0 : i32
      %sign3A_56 = arith.cmpi slt, %jit3A, %sign3A_55 : i32
      %sign3A_57 = arith.extui %sign3A_56 : i1 to i32
      %sign3A_58 = arith.subi %sign3A_54, %sign3A_57 : i32
      %ne3A = arith.cmpi ne, %sign3A_51, %sign3A_58 : i32
      %rem3A = arith.remsi %scan3A_44, %jit3A : i32
      %ne3A_59 = arith.constant 0 : i32
      %ne3A_60 = arith.cmpi ne, %rem3A, %ne3A_59 : i32
      %and3A = arith.andi %ne3A, %ne3A_60 : i1
      %sub3A = arith.constant 1 : i32
      %sub3A_61 = arith.subi %div3A, %sub3A : i32
      %select_n3A = arith.select %and3A, %sub3A_61, %div3A : i32
      %jit3A_62 = arith.constant 8 : i32
      %eq3A_63 = arith.constant 0 : i32
      %eq3A_64 = arith.cmpi eq, %jit3A_62, %eq3A_63 : i32
      %jit3A_65 = arith.constant 1 : i32
      %select_n3A_66 = arith.select %eq3A_64, %jit3A_65, %jit3A_62 : i32
      %rem3A_67 = arith.remsi %scan3A_44, %select_n3A_66 : i32
      %ne3A_68 = arith.constant 0 : i32
      %ne3A_69 = arith.cmpi ne, %rem3A_67, %ne3A_68 : i32
      %lt3A = arith.constant 0 : i32
      %lt3A_70 = arith.cmpi slt, %rem3A_67, %lt3A : i32
      %lt3A_71 = arith.constant 0 : i32
      %lt3A_72 = arith.cmpi slt, %select_n3A_66, %lt3A_71 : i32
      %ne3A_73 = arith.xori %lt3A_70, %lt3A_72 : i1
      %and3A_74 = arith.andi %ne3A_73, %ne3A_69 : i1
      %add3A_75 = arith.addi %rem3A_67, %select_n3A_66 : i32
      %select_n3A_76 = arith.select %and3A_74, %add3A_75, %rem3A_67 : i32
      %mul3A_77 = arith.constant 16 : i32
      %mul3A_78 = arith.muli %select_n3A_76, %mul3A_77 : i32
      %swap3A = arith.index_cast %select_n3A : i32 to index
      %swap3A_79 = arith.index_cast %mul3A_78 : i32 to index
      %swap3A_80 = tpu.vector_load %arg10[%swap3A, %swap3A_79] {strides = array<i32>} : memref<128x128xf32, #tpu.memory_space<vmem>>, vector<1x16xf32>,
      %swap3A_81 = vector.shape_cast %swap3A_80 : vector<1x16xf32> to vector<16xf32>
      %swap3A_82 = vector.shape_cast %broadcast_in_dim3A_45 : vector<16xf32> to vector<1x16xf32>
      tpu.vector_store %arg10[%swap3A, %swap3A_79], %swap3A_82 {strides = array<i32>} : memref<128x128xf32, #tpu.memory_space<vmem>>, vector<1x16xf32>,
    }
    %scan3A_4 = arith.constant 1024 : i32
    %mul3A = arith.constant 640 : i32
    %mul3A_5 = arith.muli %arg1, %mul3A : i32
    %add3A = arith.constant 0 : i32
    %add3A_6 = arith.addi %mul3A_5, %add3A : i32
    "tpu.region"() ({
      %run_scoped3A = tpu.sem_alloc : memref<!tpu.dma_semaphore, #tpu.memory_space<semaphore_mem>>
      %dma_start3A = arith.constant 0 : i32
      %dma_start3A_44 = tpu.memref_slice %arg14[%add3A_6, %dma_start3A] : memref<10240x128xf32, #tpu.memory_space<vmem_shared>> -> memref<128x128xf32, #tpu.memory_space<vmem_shared>>
      %dma_start3A_45 = arith.constant 0 : i32
      %dma_start3A_46 = tpu.memref_slice %arg14[%add3A_6, %dma_start3A_45] : memref<10240x128xf32, #tpu.memory_space<vmem_shared>> -> memref<128x128xf32, #tpu.memory_space<vmem_shared>>
      tpu.enqueue_dma source(%arg10 : memref<128x128xf32, #tpu.memory_space<vmem>>) target(%dma_start3A_46 : memref<128x128xf32, #tpu.memory_space<vmem_shared>>) target_semaphore(%run_scoped3A : memref<!tpu.dma_semaphore, #tpu.memory_space<semaphore_mem>>)
      %dma_wait3A = arith.constant 0 : i32
      %dma_wait3A_47 = tpu.memref_slice %arg14[%add3A_6, %dma_wait3A] : memref<10240x128xf32, #tpu.memory_space<vmem_shared>> -> memref<128x128xf32, #tpu.memory_space<vmem_shared>>
      %dma_wait3A_48 = arith.constant 0 : i32
      %dma_wait3A_49 = tpu.memref_slice %arg14[%add3A_6, %dma_wait3A_48] : memref<10240x128xf32, #tpu.memory_space<vmem_shared>> -> memref<128x128xf32, #tpu.memory_space<vmem_shared>>
      tpu.wait_dma2 semaphore(%run_scoped3A : memref<!tpu.dma_semaphore, #tpu.memory_space<semaphore_mem>>) src(%arg10 : memref<128x128xf32, #tpu.memory_space<vmem>>) dst(%dma_wait3A_49 : memref<128x128xf32, #tpu.memory_space<vmem_shared>>)
      tpu.yield
    }) : () -> ()
    %mul3A_7 = arith.constant 640 : i32
    %mul3A_8 = arith.muli %arg1, %mul3A_7 : i32
    %add3A_9 = arith.constant 128 : i32
    %add3A_10 = arith.addi %mul3A_8, %add3A_9 : i32
    "tpu.region"() ({
      %run_scoped3A = tpu.sem_alloc : memref<!tpu.dma_semaphore, #tpu.memory_space<semaphore_mem>>
      %dma_start3A = arith.constant 0 : i32
      %dma_start3A_44 = tpu.memref_slice %arg14[%add3A_10, %dma_start3A] : memref<10240x128xf32, #tpu.memory_space<vmem_shared>> -> memref<128x128xf32, #tpu.memory_space<vmem_shared>>
      %dma_start3A_45 = arith.constant 0 : i32
      %dma_start3A_46 = tpu.memref_slice %arg14[%add3A_10, %dma_start3A_45] : memref<10240x128xf32, #tpu.memory_space<vmem_shared>> -> memref<128x128xf32, #tpu.memory_space<vmem_shared>>
      tpu.enqueue_dma source(%arg10 : memref<128x128xf32, #tpu.memory_space<vmem>>) target(%dma_start3A_46 : memref<128x128xf32, #tpu.memory_space<vmem_shared>>) target_semaphore(%run_scoped3A : memref<!tpu.dma_semaphore, #tpu.memory_space<semaphore_mem>>)
      %dma_wait3A = arith.constant 0 : i32
      %dma_wait3A_47 = tpu.memref_slice %arg14[%add3A_10, %dma_wait3A] : memref<10240x128xf32, #tpu.memory_space<vmem_shared>> -> memref<128x128xf32, #tpu.memory_space<vmem_shared>>
      %dma_wait3A_48 = arith.constant 0 : i32
      %dma_wait3A_49 = tpu.memref_slice %arg14[%add3A_10, %dma_wait3A_48] : memref<10240x128xf32, #tpu.memory_space<vmem_shared>> -> memref<128x128xf32, #tpu.memory_space<vmem_shared>>
      tpu.wait_dma2 semaphore(%run_scoped3A : memref<!tpu.dma_semaphore, #tpu.memory_space<semaphore_mem>>) src(%arg10 : memref<128x128xf32, #tpu.memory_space<vmem>>) dst(%dma_wait3A_49 : memref<128x128xf32, #tpu.memory_space<vmem_shared>>)
      tpu.yield
    }) : () -> ()
    %mul3A_11 = arith.constant 640 : i32
    %mul3A_12 = arith.muli %arg1, %mul3A_11 : i32
    %add3A_13 = arith.constant 256 : i32
    %add3A_14 = arith.addi %mul3A_12, %add3A_13 : i32
    "tpu.region"() ({
      %run_scoped3A = tpu.sem_alloc : memref<!tpu.dma_semaphore, #tpu.memory_space<semaphore_mem>>
      %dma_start3A = arith.constant 0 : i32
      %dma_start3A_44 = tpu.memref_slice %arg14[%add3A_14, %dma_start3A] : memref<10240x128xf32, #tpu.memory_space<vmem_shared>> -> memref<128x128xf32, #tpu.memory_space<vmem_shared>>
      %dma_start3A_45 = arith.constant 0 : i32
      %dma_start3A_46 = tpu.memref_slice %arg14[%add3A_14, %dma_start3A_45] : memref<10240x128xf32, #tpu.memory_space<vmem_shared>> -> memref<128x128xf32, #tpu.memory_space<vmem_shared>>
      tpu.enqueue_dma source(%arg10 : memref<128x128xf32, #tpu.memory_space<vmem>>) target(%dma_start3A_46 : memref<128x128xf32, #tpu.memory_space<vmem_shared>>) target_semaphore(%run_scoped3A : memref<!tpu.dma_semaphore, #tpu.memory_space<semaphore_mem>>)
      %dma_wait3A = arith.constant 0 : i32
      %dma_wait3A_47 = tpu.memref_slice %arg14[%add3A_14, %dma_wait3A] : memref<10240x128xf32, #tpu.memory_space<vmem_shared>> -> memref<128x128xf32, #tpu.memory_space<vmem_shared>>
      %dma_wait3A_48 = arith.constant 0 : i32
      %dma_wait3A_49 = tpu.memref_slice %arg14[%add3A_14, %dma_wait3A_48] : memref<10240x128xf32, #tpu.memory_space<vmem_shared>> -> memref<128x128xf32, #tpu.memory_space<vmem_shared>>
      tpu.wait_dma2 semaphore(%run_scoped3A : memref<!tpu.dma_semaphore, #tpu.memory_space<semaphore_mem>>) src(%arg10 : memref<128x128xf32, #tpu.memory_space<vmem>>) dst(%dma_wait3A_49 : memref<128x128xf32, #tpu.memory_space<vmem_shared>>)
      tpu.yield
    }) : () -> ()
    %mul3A_15 = arith.constant 640 : i32
    %mul3A_16 = arith.muli %arg1, %mul3A_15 : i32
    %add3A_17 = arith.constant 384 : i32
    %add3A_18 = arith.addi %mul3A_16, %add3A_17 : i32
    "tpu.region"() ({
      %run_scoped3A = tpu.sem_alloc : memref<!tpu.dma_semaphore, #tpu.memory_space<semaphore_mem>>
      %dma_start3A = arith.constant 0 : i32
      %dma_start3A_44 = tpu.memref_slice %arg14[%add3A_18, %dma_start3A] : memref<10240x128xf32, #tpu.memory_space<vmem_shared>> -> memref<128x128xf32, #tpu.memory_space<vmem_shared>>
      %dma_start3A_45 = arith.constant 0 : i32
      %dma_start3A_46 = tpu.memref_slice %arg14[%add3A_18, %dma_start3A_45] : memref<10240x128xf32, #tpu.memory_space<vmem_shared>> -> memref<128x128xf32, #tpu.memory_space<vmem_shared>>
      tpu.enqueue_dma source(%arg10 : memref<128x128xf32, #tpu.memory_space<vmem>>) target(%dma_start3A_46 : memref<128x128xf32, #tpu.memory_space<vmem_shared>>) target_semaphore(%run_scoped3A : memref<!tpu.dma_semaphore, #tpu.memory_space<semaphore_mem>>)
      %dma_wait3A = arith.constant 0 : i32
      %dma_wait3A_47 = tpu.memref_slice %arg14[%add3A_18, %dma_wait3A] : memref<10240x128xf32, #tpu.memory_space<vmem_shared>> -> memref<128x128xf32, #tpu.memory_space<vmem_shared>>
      %dma_wait3A_48 = arith.constant 0 : i32
      %dma_wait3A_49 = tpu.memref_slice %arg14[%add3A_18, %dma_wait3A_48] : memref<10240x128xf32, #tpu.memory_space<vmem_shared>> -> memref<128x128xf32, #tpu.memory_space<vmem_shared>>
      tpu.wait_dma2 semaphore(%run_scoped3A : memref<!tpu.dma_semaphore, #tpu.memory_space<semaphore_mem>>) src(%arg10 : memref<128x128xf32, #tpu.memory_space<vmem>>) dst(%dma_wait3A_49 : memref<128x128xf32, #tpu.memory_space<vmem_shared>>)
      tpu.yield
    }) : () -> ()
    %mul3A_19 = arith.constant 640 : i32
    %mul3A_20 = arith.muli %arg1, %mul3A_19 : i32
    %add3A_21 = arith.constant 512 : i32
    %add3A_22 = arith.addi %mul3A_20, %add3A_21 : i32
    "tpu.region"() ({
      %run_scoped3A = tpu.sem_alloc : memref<!tpu.dma_semaphore, #tpu.memory_space<semaphore_mem>>
      %dma_start3A = arith.constant 0 : i32
      %dma_start3A_44 = tpu.memref_slice %arg14[%add3A_22, %dma_start3A] : memref<10240x128xf32, #tpu.memory_space<vmem_shared>> -> memref<128x128xf32, #tpu.memory_space<vmem_shared>>
      %dma_start3A_45 = arith.constant 0 : i32
      %dma_start3A_46 = tpu.memref_slice %arg14[%add3A_22, %dma_start3A_45] : memref<10240x128xf32, #tpu.memory_space<vmem_shared>> -> memref<128x128xf32, #tpu.memory_space<vmem_shared>>
      tpu.enqueue_dma source(%arg10 : memref<128x128xf32, #tpu.memory_space<vmem>>) target(%dma_start3A_46 : memref<128x128xf32, #tpu.memory_space<vmem_shared>>) target_semaphore(%run_scoped3A : memref<!tpu.dma_semaphore, #tpu.memory_space<semaphore_mem>>)
      %dma_wait3A = arith.constant 0 : i32
      %dma_wait3A_47 = tpu.memref_slice %arg14[%add3A_22, %dma_wait3A] : memref<10240x128xf32, #tpu.memory_space<vmem_shared>> -> memref<128x128xf32, #tpu.memory_space<vmem_shared>>
      %dma_wait3A_48 = arith.constant 0 : i32
      %dma_wait3A_49 = tpu.memref_slice %arg14[%add3A_22, %dma_wait3A_48] : memref<10240x128xf32, #tpu.memory_space<vmem_shared>> -> memref<128x128xf32, #tpu.memory_space<vmem_shared>>
      tpu.wait_dma2 semaphore(%run_scoped3A : memref<!tpu.dma_semaphore, #tpu.memory_space<semaphore_mem>>) src(%arg10 : memref<128x128xf32, #tpu.memory_space<vmem>>) dst(%dma_wait3A_49 : memref<128x128xf32, #tpu.memory_space<vmem_shared>>)
      tpu.yield
    }) : () -> ()
    %barrier3A = arith.constant 0 : index
    tpu.barrier barrier_id(%barrier3A)
    %mul3A_23 = arith.constant 16 : i32
    %mul3A_24 = arith.muli %arg0, %mul3A_23 : i32
    %add3A_25 = arith.addi %mul3A_24, %arg1 : i32
    %mul3A_26 = arith.constant 80 : i32
    %mul3A_27 = arith.muli %add3A_25, %mul3A_26 : i32
    %scan3A_28 = arith.constant 0 : i32
    %scan3A_29 = arith.constant 0 : i32
    %scan3A_30 = arith.constant 2 : i32
    %scan3A_31 = arith.addi %scan3A_29, %scan3A_30 : i32
    %scan3A_32 = arith.constant 1 : i32
    scf.for %scan3A_44 = %scan3A_29 to %scan3A_31 step %scan3A_32  : i32 {
      %mul3A_45 = arith.constant 40 : i32
      %mul3A_46 = arith.muli %scan3A_44, %mul3A_45 : i32
      %add3A_47 = arith.addi %mul3A_27, %mul3A_46 : i32
      "tpu.region"() ({
        %run_scoped3A = tpu.sem_alloc : memref<!tpu.dma_semaphore, #tpu.memory_space<semaphore_mem>>
        %dma_start3A = arith.constant 0 : i32
        %dma_start3A_64 = tpu.memref_slice %arg4[%add3A_47, %dma_start3A] : memref<2560x128xi32, #tpu.memory_space<hbm>> -> memref<40x128xi32, #tpu.memory_space<hbm>>
        %dma_start3A_65 = arith.constant 0 : i32
        %dma_start3A_66 = tpu.memref_slice %arg4[%add3A_47, %dma_start3A_65] : memref<2560x128xi32, #tpu.memory_space<hbm>> -> memref<40x128xi32, #tpu.memory_space<hbm>>
        tpu.enqueue_dma source(%dma_start3A_66 : memref<40x128xi32, #tpu.memory_space<hbm>>) target(%arg8 : memref<40x128xi32, #tpu.memory_space<vmem>>) target_semaphore(%run_scoped3A : memref<!tpu.dma_semaphore, #tpu.memory_space<semaphore_mem>>)
        %dma_wait3A = arith.constant 0 : i32
        %dma_wait3A_67 = tpu.memref_slice %arg4[%add3A_47, %dma_wait3A] : memref<2560x128xi32, #tpu.memory_space<hbm>> -> memref<40x128xi32, #tpu.memory_space<hbm>>
        %dma_wait3A_68 = arith.constant 0 : i32
        %dma_wait3A_69 = tpu.memref_slice %arg4[%add3A_47, %dma_wait3A_68] : memref<2560x128xi32, #tpu.memory_space<hbm>> -> memref<40x128xi32, #tpu.memory_space<hbm>>
        tpu.wait_dma2 semaphore(%run_scoped3A : memref<!tpu.dma_semaphore, #tpu.memory_space<semaphore_mem>>) src(%dma_wait3A_69 : memref<40x128xi32, #tpu.memory_space<hbm>>) dst(%arg8 : memref<40x128xi32, #tpu.memory_space<vmem>>)
        tpu.yield
      }) : () -> ()
      "tpu.region"() ({
        %run_scoped3A = tpu.sem_alloc : memref<!tpu.dma_semaphore, #tpu.memory_space<semaphore_mem>>
        %dma_start3A = arith.constant 0 : i32
        %dma_start3A_64 = tpu.memref_slice %arg5[%add3A_47, %dma_start3A] : memref<2560x128xi32, #tpu.memory_space<hbm>> -> memref<40x128xi32, #tpu.memory_space<hbm>>
        %dma_start3A_65 = arith.constant 0 : i32
        %dma_start3A_66 = tpu.memref_slice %arg5[%add3A_47, %dma_start3A_65] : memref<2560x128xi32, #tpu.memory_space<hbm>> -> memref<40x128xi32, #tpu.memory_space<hbm>>
        tpu.enqueue_dma source(%dma_start3A_66 : memref<40x128xi32, #tpu.memory_space<hbm>>) target(%arg9 : memref<40x128xi32, #tpu.memory_space<vmem>>) target_semaphore(%run_scoped3A : memref<!tpu.dma_semaphore, #tpu.memory_space<semaphore_mem>>)
        %dma_wait3A = arith.constant 0 : i32
        %dma_wait3A_67 = tpu.memref_slice %arg5[%add3A_47, %dma_wait3A] : memref<2560x128xi32, #tpu.memory_space<hbm>> -> memref<40x128xi32, #tpu.memory_space<hbm>>
        %dma_wait3A_68 = arith.constant 0 : i32
        %dma_wait3A_69 = tpu.memref_slice %arg5[%add3A_47, %dma_wait3A_68] : memref<2560x128xi32, #tpu.memory_space<hbm>> -> memref<40x128xi32, #tpu.memory_space<hbm>>
        tpu.wait_dma2 semaphore(%run_scoped3A : memref<!tpu.dma_semaphore, #tpu.memory_space<semaphore_mem>>) src(%dma_wait3A_69 : memref<40x128xi32, #tpu.memory_space<hbm>>) dst(%arg9 : memref<40x128xi32, #tpu.memory_space<vmem>>)
        tpu.yield
      }) : () -> ()
      %eq3A_48 = arith.constant 0 : i32
      %eq3A_49 = arith.cmpi eq, %arg0, %eq3A_48 : i32
      %convert_element_type3A_50 = arith.extui %eq3A_49 : i1 to i32
      %cond3A_51 = arith.constant 0 : i32
      %cond3A_52 = arith.cmpi ne, %convert_element_type3A_50, %cond3A_51 : i32
      scf.if %cond3A_52 {
        %dma_start3A = arith.constant 0 : i32
        %dma_start3A_64 = arith.constant 0 : i32
        %dma_start3A_65 = tpu.memref_slice %arg8[%dma_start3A, %dma_start3A_64] : memref<40x128xi32, #tpu.memory_space<vmem>> -> memref<1x128xi32, #tpu.memory_space<vmem>>
        %dma_start3A_66 = tpu.memref_squeeze %dma_start3A_65 : memref<1x128xi32, #tpu.memory_space<vmem>> -> memref<128xi32, #tpu.memory_space<vmem>>
        %dma_start3A_67 = arith.constant 0 : i32
        %dma_start3A_68 = arith.constant 0 : i32
        %dma_start3A_69 = tpu.memref_slice %arg2[%dma_start3A_67, %dma_start3A_68] : memref<10240x128xf32, #tpu.memory_space<hbm>> -> memref<10240x128xf32, #tpu.memory_space<hbm>>
        tpu.enqueue_indirect_dma source(%dma_start3A_69 : memref<10240x128xf32, #tpu.memory_space<hbm>>) target(%arg10 : memref<128x128xf32, #tpu.memory_space<vmem>>) offsets(%dma_start3A_66 : memref<128xi32, #tpu.memory_space<vmem>>) semaphore(%arg12 : memref<!tpu.dma_semaphore, #tpu.memory_space<semaphore_mem>>)
      } else {
      }
      %eq3A_53 = arith.constant 1 : i32
      %eq3A_54 = arith.cmpi eq, %arg0, %eq3A_53 : i32
      %convert_element_type3A_55 = arith.extui %eq3A_54 : i1 to i32
      %cond3A_56 = arith.constant 0 : i32
      %cond3A_57 = arith.cmpi ne, %convert_element_type3A_55, %cond3A_56 : i32
      scf.if %cond3A_57 {
        %dma_start3A = arith.constant 0 : i32
        %dma_start3A_64 = arith.constant 0 : i32
        %dma_start3A_65 = tpu.memref_slice %arg8[%dma_start3A, %dma_start3A_64] : memref<40x128xi32, #tpu.memory_space<vmem>> -> memref<1x128xi32, #tpu.memory_space<vmem>>
        %dma_start3A_66 = tpu.memref_squeeze %dma_start3A_65 : memref<1x128xi32, #tpu.memory_space<vmem>> -> memref<128xi32, #tpu.memory_space<vmem>>
        %dma_start3A_67 = arith.constant 0 : i32
        %dma_start3A_68 = arith.constant 0 : i32
        %dma_start3A_69 = tpu.memref_slice %arg3[%dma_start3A_67, %dma_start3A_68] : memref<10240x128xf32, #tpu.memory_space<hbm>> -> memref<10240x128xf32, #tpu.memory_space<hbm>>
        tpu.enqueue_indirect_dma source(%dma_start3A_69 : memref<10240x128xf32, #tpu.memory_space<hbm>>) target(%arg10 : memref<128x128xf32, #tpu.memory_space<vmem>>) offsets(%dma_start3A_66 : memref<128xi32, #tpu.memory_space<vmem>>) semaphore(%arg12 : memref<!tpu.dma_semaphore, #tpu.memory_space<semaphore_mem>>)
      } else {
      }
      %scan3A_58 = arith.constant 0 : i32
      %scan3A_59 = arith.constant 0 : i32
      %scan3A_60 = arith.constant 20 : i32
      %scan3A_61 = arith.addi %scan3A_59, %scan3A_60 : i32
      %scan3A_62 = arith.constant 1 : i32
      scf.for %scan3A_64 = %scan3A_59 to %scan3A_61 step %scan3A_62  : i32 {
        %mul3A_65 = arith.constant 2 : i32
        %mul3A_66 = arith.muli %scan3A_64, %mul3A_65 : i32
        %add3A_67 = arith.constant 1 : i32
        %add3A_68 = arith.addi %mul3A_66, %add3A_67 : i32
        %eq3A_69 = arith.constant 0 : i32
        %eq3A_70 = arith.cmpi eq, %arg0, %eq3A_69 : i32
        %convert_element_type3A_71 = arith.extui %eq3A_70 : i1 to i32
        %cond3A_72 = arith.constant 0 : i32
        %cond3A_73 = arith.cmpi ne, %convert_element_type3A_71, %cond3A_72 : i32
        scf.if %cond3A_73 {
          %dma_start3A = arith.constant 0 : i32
          %dma_start3A_100 = tpu.memref_slice %arg8[%add3A_68, %dma_start3A] : memref<40x128xi32, #tpu.memory_space<vmem>> -> memref<1x128xi32, #tpu.memory_space<vmem>>
          %dma_start3A_101 = tpu.memref_squeeze %dma_start3A_100 : memref<1x128xi32, #tpu.memory_space<vmem>> -> memref<128xi32, #tpu.memory_space<vmem>>
          %dma_start3A_102 = arith.constant 0 : i32
          %dma_start3A_103 = arith.constant 0 : i32
          %dma_start3A_104 = tpu.memref_slice %arg2[%dma_start3A_102, %dma_start3A_103] : memref<10240x128xf32, #tpu.memory_space<hbm>> -> memref<10240x128xf32, #tpu.memory_space<hbm>>
          tpu.enqueue_indirect_dma source(%dma_start3A_104 : memref<10240x128xf32, #tpu.memory_space<hbm>>) target(%arg11 : memref<128x128xf32, #tpu.memory_space<vmem>>) offsets(%dma_start3A_101 : memref<128xi32, #tpu.memory_space<vmem>>) semaphore(%arg13 : memref<!tpu.dma_semaphore, #tpu.memory_space<semaphore_mem>>)
        } else {
        }
        %eq3A_74 = arith.constant 1 : i32
        %eq3A_75 = arith.cmpi eq, %arg0, %eq3A_74 : i32
        %convert_element_type3A_76 = arith.extui %eq3A_75 : i1 to i32
        %cond3A_77 = arith.constant 0 : i32
        %cond3A_78 = arith.cmpi ne, %convert_element_type3A_76, %cond3A_77 : i32
        scf.if %cond3A_78 {
          %dma_start3A = arith.constant 0 : i32
          %dma_start3A_100 = tpu.memref_slice %arg8[%add3A_68, %dma_start3A] : memref<40x128xi32, #tpu.memory_space<vmem>> -> memref<1x128xi32, #tpu.memory_space<vmem>>
          %dma_start3A_101 = tpu.memref_squeeze %dma_start3A_100 : memref<1x128xi32, #tpu.memory_space<vmem>> -> memref<128xi32, #tpu.memory_space<vmem>>
          %dma_start3A_102 = arith.constant 0 : i32
          %dma_start3A_103 = arith.constant 0 : i32
          %dma_start3A_104 = tpu.memref_slice %arg3[%dma_start3A_102, %dma_start3A_103] : memref<10240x128xf32, #tpu.memory_space<hbm>> -> memref<10240x128xf32, #tpu.memory_space<hbm>>
          tpu.enqueue_indirect_dma source(%dma_start3A_104 : memref<10240x128xf32, #tpu.memory_space<hbm>>) target(%arg11 : memref<128x128xf32, #tpu.memory_space<vmem>>) offsets(%dma_start3A_101 : memref<128xi32, #tpu.memory_space<vmem>>) semaphore(%arg13 : memref<!tpu.dma_semaphore, #tpu.memory_space<semaphore_mem>>)
        } else {
        }
        %dma_wait3A = arith.constant 0 : i32
        %dma_wait3A_79 = arith.constant 0 : i32
        %dma_wait3A_80 = tpu.memref_slice %arg8[%dma_wait3A, %dma_wait3A_79] : memref<40x128xi32, #tpu.memory_space<vmem>> -> memref<1x128xi32, #tpu.memory_space<vmem>>
        %dma_wait3A_81 = tpu.memref_squeeze %dma_wait3A_80 : memref<1x128xi32, #tpu.memory_space<vmem>> -> memref<128xi32, #tpu.memory_space<vmem>>
        %dma_wait3A_82 = arith.constant 0 : i32
        %dma_wait3A_83 = arith.constant 0 : i32
        %dma_wait3A_84 = tpu.memref_slice %arg2[%dma_wait3A_82, %dma_wait3A_83] : memref<10240x128xf32, #tpu.memory_space<hbm>> -> memref<10240x128xf32, #tpu.memory_space<hbm>>
        tpu.wait_indirect_dma semaphore(%arg12 : memref<!tpu.dma_semaphore, #tpu.memory_space<semaphore_mem>>) src(%dma_wait3A_84 : memref<10240x128xf32, #tpu.memory_space<hbm>>) dst(%arg10 : memref<128x128xf32, #tpu.memory_space<vmem>>)
        "tpu.region"() ({
          %run_scoped3A = tpu.sem_alloc : memref<!tpu.dma_semaphore, #tpu.memory_space<semaphore_mem>>
          %dma_start3A = arith.constant 0 : i32
          %dma_start3A_100 = tpu.memref_slice %arg9[%mul3A_66, %dma_start3A] : memref<40x128xi32, #tpu.memory_space<vmem>> -> memref<1x128xi32, #tpu.memory_space<vmem>>
          %dma_start3A_101 = tpu.memref_squeeze %dma_start3A_100 : memref<1x128xi32, #tpu.memory_space<vmem>> -> memref<128xi32, #tpu.memory_space<vmem>>
          %dma_start3A_102 = arith.constant 0 : i32
          %dma_start3A_103 = arith.constant 0 : i32
          %dma_start3A_104 = tpu.memref_slice %arg14[%dma_start3A_102, %dma_start3A_103] : memref<10240x128xf32, #tpu.memory_space<vmem_shared>> -> memref<10240x128xf32, #tpu.memory_space<vmem_shared>>
          tpu.enqueue_indirect_dma source(%arg10 : memref<128x128xf32, #tpu.memory_space<vmem>>) target(%dma_start3A_104 : memref<10240x128xf32, #tpu.memory_space<vmem_shared>>) offsets(%dma_start3A_101 : memref<128xi32, #tpu.memory_space<vmem>>) semaphore(%run_scoped3A : memref<!tpu.dma_semaphore, #tpu.memory_space<semaphore_mem>>) {add = true}
          %dma_wait3A_105 = arith.constant 0 : i32
          %dma_wait3A_106 = tpu.memref_slice %arg9[%mul3A_66, %dma_wait3A_105] : memref<40x128xi32, #tpu.memory_space<vmem>> -> memref<1x128xi32, #tpu.memory_space<vmem>>
          %dma_wait3A_107 = tpu.memref_squeeze %dma_wait3A_106 : memref<1x128xi32, #tpu.memory_space<vmem>> -> memref<128xi32, #tpu.memory_space<vmem>>
          %dma_wait3A_108 = arith.constant 0 : i32
          %dma_wait3A_109 = arith.constant 0 : i32
          %dma_wait3A_110 = tpu.memref_slice %arg14[%dma_wait3A_108, %dma_wait3A_109] : memref<10240x128xf32, #tpu.memory_space<vmem_shared>> -> memref<10240x128xf32, #tpu.memory_space<vmem_shared>>
          tpu.wait_indirect_dma semaphore(%run_scoped3A : memref<!tpu.dma_semaphore, #tpu.memory_space<semaphore_mem>>) src(%arg10 : memref<128x128xf32, #tpu.memory_space<vmem>>) dst(%dma_wait3A_110 : memref<10240x128xf32, #tpu.memory_space<vmem_shared>>)
          tpu.yield
        }) : () -> ()
        %add3A_85 = arith.constant 2 : i32
        %add3A_86 = arith.addi %mul3A_66, %add3A_85 : i32
        %lt3A = arith.constant 40 : i32
        %lt3A_87 = arith.cmpi slt, %add3A_86, %lt3A : i32
        %convert_element_type3A_88 = arith.extui %lt3A_87 : i1 to i32
        %cond3A_89 = arith.constant 0 : i32
        %cond3A_90 = arith.cmpi ne, %convert_element_type3A_88, %cond3A_89 : i32
        scf.if %cond3A_90 {
          %add3A_100 = arith.constant 2 : i32
          %add3A_101 = arith.addi %mul3A_66, %add3A_100 : i32
          %eq3A_102 = arith.constant 0 : i32
          %eq3A_103 = arith.cmpi eq, %arg0, %eq3A_102 : i32
          %convert_element_type3A_104 = arith.extui %eq3A_103 : i1 to i32
          %cond3A_105 = arith.constant 0 : i32
          %cond3A_106 = arith.cmpi ne, %convert_element_type3A_104, %cond3A_105 : i32
          scf.if %cond3A_106 {
            %dma_start3A = arith.constant 0 : i32
            %dma_start3A_112 = tpu.memref_slice %arg8[%add3A_101, %dma_start3A] : memref<40x128xi32, #tpu.memory_space<vmem>> -> memref<1x128xi32, #tpu.memory_space<vmem>>
            %dma_start3A_113 = tpu.memref_squeeze %dma_start3A_112 : memref<1x128xi32, #tpu.memory_space<vmem>> -> memref<128xi32, #tpu.memory_space<vmem>>
            %dma_start3A_114 = arith.constant 0 : i32
            %dma_start3A_115 = arith.constant 0 : i32
            %dma_start3A_116 = tpu.memref_slice %arg2[%dma_start3A_114, %dma_start3A_115] : memref<10240x128xf32, #tpu.memory_space<hbm>> -> memref<10240x128xf32, #tpu.memory_space<hbm>>
            tpu.enqueue_indirect_dma source(%dma_start3A_116 : memref<10240x128xf32, #tpu.memory_space<hbm>>) target(%arg10 : memref<128x128xf32, #tpu.memory_space<vmem>>) offsets(%dma_start3A_113 : memref<128xi32, #tpu.memory_space<vmem>>) semaphore(%arg12 : memref<!tpu.dma_semaphore, #tpu.memory_space<semaphore_mem>>)
          } else {
          }
          %eq3A_107 = arith.constant 1 : i32
          %eq3A_108 = arith.cmpi eq, %arg0, %eq3A_107 : i32
          %convert_element_type3A_109 = arith.extui %eq3A_108 : i1 to i32
          %cond3A_110 = arith.constant 0 : i32
          %cond3A_111 = arith.cmpi ne, %convert_element_type3A_109, %cond3A_110 : i32
          scf.if %cond3A_111 {
            %dma_start3A = arith.constant 0 : i32
            %dma_start3A_112 = tpu.memref_slice %arg8[%add3A_101, %dma_start3A] : memref<40x128xi32, #tpu.memory_space<vmem>> -> memref<1x128xi32, #tpu.memory_space<vmem>>
            %dma_start3A_113 = tpu.memref_squeeze %dma_start3A_112 : memref<1x128xi32, #tpu.memory_space<vmem>> -> memref<128xi32, #tpu.memory_space<vmem>>
            %dma_start3A_114 = arith.constant 0 : i32
            %dma_start3A_115 = arith.constant 0 : i32
            %dma_start3A_116 = tpu.memref_slice %arg3[%dma_start3A_114, %dma_start3A_115] : memref<10240x128xf32, #tpu.memory_space<hbm>> -> memref<10240x128xf32, #tpu.memory_space<hbm>>
            tpu.enqueue_indirect_dma source(%dma_start3A_116 : memref<10240x128xf32, #tpu.memory_space<hbm>>) target(%arg10 : memref<128x128xf32, #tpu.memory_space<vmem>>) offsets(%dma_start3A_113 : memref<128xi32, #tpu.memory_space<vmem>>) semaphore(%arg12 : memref<!tpu.dma_semaphore, #tpu.memory_space<semaphore_mem>>)
          } else {
          }
        } else {
        }
        %dma_wait3A_91 = arith.constant 0 : i32
        %dma_wait3A_92 = arith.constant 0 : i32
        %dma_wait3A_93 = tpu.memref_slice %arg8[%dma_wait3A_91, %dma_wait3A_92] : memref<40x128xi32, #tpu.memory_space<vmem>> -> memref<1x128xi32, #tpu.memory_space<vmem>>
        %dma_wait3A_94 = tpu.memref_squeeze %dma_wait3A_93 : memref<1x128xi32, #tpu.memory_space<vmem>> -> memref<128xi32, #tpu.memory_space<vmem>>
        %dma_wait3A_95 = arith.constant 0 : i32
        %dma_wait3A_96 = arith.constant 0 : i32
        %dma_wait3A_97 = tpu.memref_slice %arg2[%dma_wait3A_95, %dma_wait3A_96] : memref<10240x128xf32, #tpu.memory_space<hbm>> -> memref<10240x128xf32, #tpu.memory_space<hbm>>
        tpu.wait_indirect_dma semaphore(%arg13 : memref<!tpu.dma_semaphore, #tpu.memory_space<semaphore_mem>>) src(%dma_wait3A_97 : memref<10240x128xf32, #tpu.memory_space<hbm>>) dst(%arg11 : memref<128x128xf32, #tpu.memory_space<vmem>>)
        %add3A_98 = arith.constant 1 : i32
        %add3A_99 = arith.addi %mul3A_66, %add3A_98 : i32
        "tpu.region"() ({
          %run_scoped3A = tpu.sem_alloc : memref<!tpu.dma_semaphore, #tpu.memory_space<semaphore_mem>>
          %dma_start3A = arith.constant 0 : i32
          %dma_start3A_100 = tpu.memref_slice %arg9[%add3A_99, %dma_start3A] : memref<40x128xi32, #tpu.memory_space<vmem>> -> memref<1x128xi32, #tpu.memory_space<vmem>>
          %dma_start3A_101 = tpu.memref_squeeze %dma_start3A_100 : memref<1x128xi32, #tpu.memory_space<vmem>> -> memref<128xi32, #tpu.memory_space<vmem>>
          %dma_start3A_102 = arith.constant 0 : i32
          %dma_start3A_103 = arith.constant 0 : i32
          %dma_start3A_104 = tpu.memref_slice %arg14[%dma_start3A_102, %dma_start3A_103] : memref<10240x128xf32, #tpu.memory_space<vmem_shared>> -> memref<10240x128xf32, #tpu.memory_space<vmem_shared>>
          tpu.enqueue_indirect_dma source(%arg11 : memref<128x128xf32, #tpu.memory_space<vmem>>) target(%dma_start3A_104 : memref<10240x128xf32, #tpu.memory_space<vmem_shared>>) offsets(%dma_start3A_101 : memref<128xi32, #tpu.memory_space<vmem>>) semaphore(%run_scoped3A : memref<!tpu.dma_semaphore, #tpu.memory_space<semaphore_mem>>) {add = true}
          %dma_wait3A_105 = arith.constant 0 : i32
          %dma_wait3A_106 = tpu.memref_slice %arg9[%add3A_99, %dma_wait3A_105] : memref<40x128xi32, #tpu.memory_space<vmem>> -> memref<1x128xi32, #tpu.memory_space<vmem>>
          %dma_wait3A_107 = tpu.memref_squeeze %dma_wait3A_106 : memref<1x128xi32, #tpu.memory_space<vmem>> -> memref<128xi32, #tpu.memory_space<vmem>>
          %dma_wait3A_108 = arith.constant 0 : i32
          %dma_wait3A_109 = arith.constant 0 : i32
          %dma_wait3A_110 = tpu.memref_slice %arg14[%dma_wait3A_108, %dma_wait3A_109] : memref<10240x128xf32, #tpu.memory_space<vmem_shared>> -> memref<10240x128xf32, #tpu.memory_space<vmem_shared>>
          tpu.wait_indirect_dma semaphore(%run_scoped3A : memref<!tpu.dma_semaphore, #tpu.memory_space<semaphore_mem>>) src(%arg11 : memref<128x128xf32, #tpu.memory_space<vmem>>) dst(%dma_wait3A_110 : memref<10240x128xf32, #tpu.memory_space<vmem_shared>>)
          tpu.yield
        }) : () -> ()
      }
      %scan3A_63 = arith.constant 20 : i32
    }
    %scan3A_33 = arith.constant 2 : i32
    %barrier3A_34 = arith.constant 0 : index
    tpu.barrier barrier_id(%barrier3A_34)
    %mul3A_35 = arith.constant 640 : i32
    %mul3A_36 = arith.muli %arg1, %mul3A_35 : i32
    %eq3A = arith.constant 0 : i32
    %eq3A_37 = arith.cmpi eq, %arg0, %eq3A : i32
    %convert_element_type3A = arith.extui %eq3A_37 : i1 to i32
    %cond3A = arith.constant 0 : i32
    %cond3A_38 = arith.cmpi ne, %convert_element_type3A, %cond3A : i32
    scf.if %cond3A_38 {
      "tpu.region"() ({
        %run_scoped3A = tpu.sem_alloc : memref<!tpu.dma_semaphore, #tpu.memory_space<semaphore_mem>>
        %dma_start3A = arith.constant 0 : i32
        %dma_start3A_44 = tpu.memref_slice %arg6[%mul3A_36, %dma_start3A] : memref<10240x128xf32, #tpu.memory_space<hbm>> -> memref<640x128xf32, #tpu.memory_space<hbm>>
        %dma_start3A_45 = arith.constant 0 : i32
        %dma_start3A_46 = tpu.memref_slice %arg14[%mul3A_36, %dma_start3A_45] : memref<10240x128xf32, #tpu.memory_space<vmem_shared>> -> memref<640x128xf32, #tpu.memory_space<vmem_shared>>
        tpu.enqueue_dma source(%dma_start3A_46 : memref<640x128xf32, #tpu.memory_space<vmem_shared>>) target(%dma_start3A_44 : memref<640x128xf32, #tpu.memory_space<hbm>>) target_semaphore(%run_scoped3A : memref<!tpu.dma_semaphore, #tpu.memory_space<semaphore_mem>>)
        %dma_wait3A = arith.constant 0 : i32
        %dma_wait3A_47 = tpu.memref_slice %arg6[%mul3A_36, %dma_wait3A] : memref<10240x128xf32, #tpu.memory_space<hbm>> -> memref<640x128xf32, #tpu.memory_space<hbm>>
        %dma_wait3A_48 = arith.constant 0 : i32
        %dma_wait3A_49 = tpu.memref_slice %arg14[%mul3A_36, %dma_wait3A_48] : memref<10240x128xf32, #tpu.memory_space<vmem_shared>> -> memref<640x128xf32, #tpu.memory_space<vmem_shared>>
        tpu.wait_dma2 semaphore(%run_scoped3A : memref<!tpu.dma_semaphore, #tpu.memory_space<semaphore_mem>>) src(%dma_wait3A_49 : memref<640x128xf32, #tpu.memory_space<vmem_shared>>) dst(%dma_wait3A_47 : memref<640x128xf32, #tpu.memory_space<hbm>>)
        tpu.yield
      }) : () -> ()
    } else {
    }
    %eq3A_39 = arith.constant 1 : i32
    %eq3A_40 = arith.cmpi eq, %arg0, %eq3A_39 : i32
    %convert_element_type3A_41 = arith.extui %eq3A_40 : i1 to i32
    %cond3A_42 = arith.constant 0 : i32
    %cond3A_43 = arith.cmpi ne, %convert_element_type3A_41, %cond3A_42 : i32
    scf.if %cond3A_43 {
      "tpu.region"() ({
        %run_scoped3A = tpu.sem_alloc : memref<!tpu.dma_semaphore, #tpu.memory_space<semaphore_mem>>
        %dma_start3A = arith.constant 0 : i32
        %dma_start3A_44 = tpu.memref_slice %arg7[%mul3A_36, %dma_start3A] : memref<10240x128xf32, #tpu.memory_space<hbm>> -> memref<640x128xf32, #tpu.memory_space<hbm>>
        %dma_start3A_45 = arith.constant 0 : i32
        %dma_start3A_46 = tpu.memref_slice %arg14[%mul3A_36, %dma_start3A_45] : memref<10240x128xf32, #tpu.memory_space<vmem_shared>> -> memref<640x128xf32, #tpu.memory_space<vmem_shared>>
        tpu.enqueue_dma source(%dma_start3A_46 : memref<640x128xf32, #tpu.memory_space<vmem_shared>>) target(%dma_start3A_44 : memref<640x128xf32, #tpu.memory_space<hbm>>) target_semaphore(%run_scoped3A : memref<!tpu.dma_semaphore, #tpu.memory_space<semaphore_mem>>)
        %dma_wait3A = arith.constant 0 : i32
        %dma_wait3A_47 = tpu.memref_slice %arg7[%mul3A_36, %dma_wait3A] : memref<10240x128xf32, #tpu.memory_space<hbm>> -> memref<640x128xf32, #tpu.memory_space<hbm>>
        %dma_wait3A_48 = arith.constant 0 : i32
        %dma_wait3A_49 = tpu.memref_slice %arg14[%mul3A_36, %dma_wait3A_48] : memref<10240x128xf32, #tpu.memory_space<vmem_shared>> -> memref<640x128xf32, #tpu.memory_space<vmem_shared>>
        tpu.wait_dma2 semaphore(%run_scoped3A : memref<!tpu.dma_semaphore, #tpu.memory_space<semaphore_mem>>) src(%dma_wait3A_49 : memref<640x128xf32, #tpu.memory_space<vmem_shared>>) dst(%dma_wait3A_47 : memref<640x128xf32, #tpu.memory_space<hbm>>)
        tpu.yield
      }) : () -> ()
    } else {
    }
    return
  }
}

module attributes {stable_mosaic.version = 14 : i64} {
  func.func @body(%arg0: i32, %arg1: memref<640x128xf32, #tpu.memory_space<vmem>>, %arg2: memref<128x256xf32, #tpu.memory_space<vmem>>, %arg3: memref<32x640xf32, #tpu.memory_space<vmem>>, %arg4: memref<640x128xf32, #tpu.memory_space<vmem>>, %arg5: memref<640x128xf32, #tpu.memory_space<vmem>>) attributes {dimension_semantics = [#tpu.dimension_semantics<arbitrary>], iteration_bounds = array<i64: 16>, scalar_prefetch = 0 : i64, scratch_operands = 0 : i64, tpu.core_type = #tpu.core_type<tc>, window_params = [{transform_indices = @transform_0, window_bounds = array<i64: 640, 128>}, {pipeline_mode = #tpu.pipeline_mode<synchronous>, transform_indices = @transform_1, window_bounds = array<i64: 128, 256>}, {transform_indices = @transform_2, window_bounds = array<i64: 32, 640>}, {transform_indices = @transform_3, window_bounds = array<i64: 640, 128>}, {transform_indices = @transform_4, window_bounds = array<i64: 640, 128>}]} {
    %get3A = arith.constant 0 : index
    %get3A_0 = arith.constant 0 : index
    %get3A_1 = vector.load %arg3[%get3A, %get3A_0] : memref<32x640xf32, #tpu.memory_space<vmem>>, vector<32x640xf32>
    %reduce_sum3A = arith.constant dense<0.000000e+00> : vector<640xf32>
    %reduce_sum3A_2 = vector.multi_reduction <add>, %get3A_1, %reduce_sum3A [0] : vector<32x640xf32> to vector<640xf32>
    %add3A = arith.constant 1.000000e+00 : f32
    %add3A_3 = vector.broadcast %add3A : f32 to vector<640xf32>
    %add3A_4 = arith.addf %add3A_3, %reduce_sum3A_2 : vector<640xf32>
    %rsqrt3A = math.rsqrt %add3A_4 : vector<640xf32>
    %get3A_5 = arith.constant 0 : index
    %get3A_6 = arith.constant 0 : index
    %get3A_7 = vector.load %arg1[%get3A_5, %get3A_6] : memref<640x128xf32, #tpu.memory_space<vmem>>, vector<640x128xf32>
    %get3A_8 = arith.constant 0 : index
    %get3A_9 = arith.constant 0 : index
    %get3A_10 = vector.load %arg2[%get3A_8, %get3A_9] : memref<128x256xf32, #tpu.memory_space<vmem>>, vector<128x256xf32>
    %dot_general3A = arith.constant dense<0.000000e+00> : vector<640x256xf32>
    %dot_general3A_11 = tpu.matmul %get3A_7, %get3A_10, %dot_general3A {dimension_numbers = #tpu.dot_dimension_numbers<[1], [0], [0], [1], [0, 0, 1, 1], [], []>, transpose_lhs_hint = false} : vector<640x128xf32>, vector<128x256xf32>, vector<640x256xf32> -> vector<640x256xf32>
    %broadcast_in_dim3A = vector.shape_cast %rsqrt3A : vector<640xf32> to vector<640x1xf32>
    %mul3A = vector.broadcast %broadcast_in_dim3A : vector<640x1xf32> to vector<640x256xf32>
    %mul3A_12 = arith.mulf %dot_general3A_11, %mul3A : vector<640x256xf32>
    %slice3A = vector.extract_strided_slice %mul3A_12 {offsets = [0, 0], sizes = [640, 128], strides = [1, 1]} : vector<640x256xf32> to vector<640x128xf32>
    %swap3A = arith.constant 0 : index
    %swap3A_13 = arith.constant 0 : index
    %swap3A_14 = vector.load %arg4[%swap3A, %swap3A_13] : memref<640x128xf32, #tpu.memory_space<vmem>>, vector<640x128xf32>
    tpu.vector_store %arg4[%swap3A, %swap3A_13], %slice3A {strides = array<i32>} : memref<640x128xf32, #tpu.memory_space<vmem>>, vector<640x128xf32>,
    %slice3A_15 = vector.extract_strided_slice %mul3A_12 {offsets = [0, 128], sizes = [640, 128], strides = [1, 1]} : vector<640x256xf32> to vector<640x128xf32>
    %swap3A_16 = arith.constant 0 : index
    %swap3A_17 = arith.constant 0 : index
    %swap3A_18 = vector.load %arg5[%swap3A_16, %swap3A_17] : memref<640x128xf32, #tpu.memory_space<vmem>>, vector<640x128xf32>
    tpu.vector_store %arg5[%swap3A_16, %swap3A_17], %slice3A_15 {strides = array<i32>} : memref<640x128xf32, #tpu.memory_space<vmem>>, vector<640x128xf32>,
    return
  }
  func.func @transform_0(%arg0: i32) -> (i32, i32) {
    %c0_i32 = arith.constant 0 : i32
    %c0_i32_0 = arith.constant 0 : i32
    return %arg0, %c0_i32 : i32, i32
  }
  func.func @transform_1(%arg0: i32) -> (i32, i32) {
    %c0_i32 = arith.constant 0 : i32
    %c0_i32_0 = arith.constant 0 : i32
    %c0_i32_1 = arith.constant 0 : i32
    return %c0_i32, %c0_i32_0 : i32, i32
  }
  func.func @transform_2(%arg0: i32) -> (i32, i32) {
    %c0_i32 = arith.constant 0 : i32
    %c0_i32_0 = arith.constant 0 : i32
    return %c0_i32, %arg0 : i32, i32
  }
  func.func @transform_3(%arg0: i32) -> (i32, i32) {
    %c0_i32 = arith.constant 0 : i32
    %c0_i32_0 = arith.constant 0 : i32
    return %arg0, %c0_i32 : i32, i32
  }
  func.func @transform_4(%arg0: i32) -> (i32, i32) {
    %c0_i32 = arith.constant 0 : i32
    %c0_i32_0 = arith.constant 0 : i32
    return %arg0, %c0_i32 : i32, i32
  }
}

module attributes {stable_mosaic.version = 14 : i64} {
  func.func @body(%arg0: i32, %arg1: memref<640x128xf32, #tpu.memory_space<vmem>>, %arg2: memref<640x128xf32, #tpu.memory_space<vmem>>, %arg3: memref<640x128xf32, #tpu.memory_space<vmem>>, %arg4: memref<640x128xf32, #tpu.memory_space<vmem>>, %arg5: memref<32x640xf32, #tpu.memory_space<vmem>>, %arg6: memref<256x128xf32, #tpu.memory_space<vmem>>, %arg7: memref<1x256xf32, #tpu.memory_space<vmem>>, %arg8: memref<640x128xf32, #tpu.memory_space<vmem>>) attributes {dimension_semantics = [#tpu.dimension_semantics<arbitrary>], iteration_bounds = array<i64: 16>, scalar_prefetch = 0 : i64, scratch_operands = 0 : i64, tpu.core_type = #tpu.core_type<tc>, window_params = [{transform_indices = @transform_0, window_bounds = array<i64: 640, 128>}, {transform_indices = @transform_1, window_bounds = array<i64: 640, 128>}, {transform_indices = @transform_2, window_bounds = array<i64: 640, 128>}, {transform_indices = @transform_3, window_bounds = array<i64: 640, 128>}, {transform_indices = @transform_4, window_bounds = array<i64: 32, 640>}, {pipeline_mode = #tpu.pipeline_mode<synchronous>, transform_indices = @transform_5, window_bounds = array<i64: 256, 128>}, {pipeline_mode = #tpu.pipeline_mode<synchronous>, transform_indices = @transform_6, window_bounds = array<i64: 1, 256>}, {transform_indices = @transform_7, window_bounds = array<i64: 640, 128>}]} {
    %get3A = arith.constant 0 : index
    %get3A_0 = arith.constant 0 : index
    %get3A_1 = vector.load %arg5[%get3A, %get3A_0] : memref<32x640xf32, #tpu.memory_space<vmem>>, vector<32x640xf32>
    %reduce_sum3A = arith.constant dense<0.000000e+00> : vector<640xf32>
    %reduce_sum3A_2 = vector.multi_reduction <add>, %get3A_1, %reduce_sum3A [0] : vector<32x640xf32> to vector<640xf32>
    %add3A = arith.constant 1.000000e+00 : f32
    %add3A_3 = vector.broadcast %add3A : f32 to vector<640xf32>
    %add3A_4 = arith.addf %add3A_3, %reduce_sum3A_2 : vector<640xf32>
    %rsqrt3A = math.rsqrt %add3A_4 : vector<640xf32>
    %get3A_5 = arith.constant 0 : index
    %get3A_6 = arith.constant 0 : index
    %get3A_7 = vector.load %arg1[%get3A_5, %get3A_6] : memref<640x128xf32, #tpu.memory_space<vmem>>, vector<640x128xf32>
    %get3A_8 = arith.constant 0 : index
    %get3A_9 = arith.constant 0 : index
    %get3A_10 = vector.load %arg3[%get3A_8, %get3A_9] : memref<640x128xf32, #tpu.memory_space<vmem>>, vector<640x128xf32>
    %add3A_11 = arith.addf %get3A_7, %get3A_10 : vector<640x128xf32>
    %broadcast_in_dim3A = vector.shape_cast %rsqrt3A : vector<640xf32> to vector<640x1xf32>
    %mul3A = vector.broadcast %broadcast_in_dim3A : vector<640x1xf32> to vector<640x128xf32>
    %mul3A_12 = arith.mulf %add3A_11, %mul3A : vector<640x128xf32>
    %get3A_13 = arith.constant 0 : index
    %get3A_14 = arith.constant 0 : index
    %get3A_15 = vector.load %arg2[%get3A_13, %get3A_14] : memref<640x128xf32, #tpu.memory_space<vmem>>, vector<640x128xf32>
    %get3A_16 = arith.constant 0 : index
    %get3A_17 = arith.constant 0 : index
    %get3A_18 = vector.load %arg4[%get3A_16, %get3A_17] : memref<640x128xf32, #tpu.memory_space<vmem>>, vector<640x128xf32>
    %add3A_19 = arith.addf %get3A_15, %get3A_18 : vector<640x128xf32>
    %broadcast_in_dim3A_20 = vector.shape_cast %rsqrt3A : vector<640xf32> to vector<640x1xf32>
    %mul3A_21 = vector.broadcast %broadcast_in_dim3A_20 : vector<640x1xf32> to vector<640x128xf32>
    %mul3A_22 = arith.mulf %add3A_19, %mul3A_21 : vector<640x128xf32>
    %concatenate3A = tpu.concatenate %mul3A_12, %mul3A_22 in 1 : vector<640x128xf32>, vector<640x128xf32> -> vector<640x256xf32>
    %get3A_23 = arith.constant 0 : index
    %get3A_24 = arith.constant 0 : index
    %get3A_25 = vector.load %arg7[%get3A_23, %get3A_24] : memref<1x256xf32, #tpu.memory_space<vmem>>, vector<1x256xf32>
    %add3A_26 = vector.broadcast %get3A_25 : vector<1x256xf32> to vector<640x256xf32>
    %add3A_27 = arith.addf %concatenate3A, %add3A_26 : vector<640x256xf32>
    %max3A = arith.constant 0.000000e+00 : f32
    %max3A_28 = vector.broadcast %max3A : f32 to vector<640x256xf32>
    %max3A_29 = arith.maximumf %add3A_27, %max3A_28 : vector<640x256xf32>
    %get3A_30 = arith.constant 0 : index
    %get3A_31 = arith.constant 0 : index
    %get3A_32 = vector.load %arg6[%get3A_30, %get3A_31] : memref<256x128xf32, #tpu.memory_space<vmem>>, vector<256x128xf32>
    %dot_general3A = arith.constant dense<0.000000e+00> : vector<640x128xf32>
    %dot_general3A_33 = tpu.matmul %max3A_29, %get3A_32, %dot_general3A {dimension_numbers = #tpu.dot_dimension_numbers<[1], [0], [0], [1], [0, 0, 1, 1], [], []>, transpose_lhs_hint = false} : vector<640x256xf32>, vector<256x128xf32>, vector<640x128xf32> -> vector<640x128xf32>
    %broadcast_in_dim3A_34 = vector.shape_cast %rsqrt3A : vector<640xf32> to vector<640x1xf32>
    %mul3A_35 = vector.broadcast %broadcast_in_dim3A_34 : vector<640x1xf32> to vector<640x128xf32>
    %mul3A_36 = arith.mulf %dot_general3A_33, %mul3A_35 : vector<640x128xf32>
    %swap3A = arith.constant 0 : index
    %swap3A_37 = arith.constant 0 : index
    %swap3A_38 = vector.load %arg8[%swap3A, %swap3A_37] : memref<640x128xf32, #tpu.memory_space<vmem>>, vector<640x128xf32>
    tpu.vector_store %arg8[%swap3A, %swap3A_37], %mul3A_36 {strides = array<i32>} : memref<640x128xf32, #tpu.memory_space<vmem>>, vector<640x128xf32>,
    return
  }
  func.func @transform_0(%arg0: i32) -> (i32, i32) {
    %c0_i32 = arith.constant 0 : i32
    %c0_i32_0 = arith.constant 0 : i32
    return %arg0, %c0_i32 : i32, i32
  }
  func.func @transform_1(%arg0: i32) -> (i32, i32) {
    %c0_i32 = arith.constant 0 : i32
    %c0_i32_0 = arith.constant 0 : i32
    return %arg0, %c0_i32 : i32, i32
  }
  func.func @transform_2(%arg0: i32) -> (i32, i32) {
    %c0_i32 = arith.constant 0 : i32
    %c0_i32_0 = arith.constant 0 : i32
    return %arg0, %c0_i32 : i32, i32
  }
  func.func @transform_3(%arg0: i32) -> (i32, i32) {
    %c0_i32 = arith.constant 0 : i32
    %c0_i32_0 = arith.constant 0 : i32
    return %arg0, %c0_i32 : i32, i32
  }
  func.func @transform_4(%arg0: i32) -> (i32, i32) {
    %c0_i32 = arith.constant 0 : i32
    %c0_i32_0 = arith.constant 0 : i32
    return %c0_i32, %arg0 : i32, i32
  }
  func.func @transform_5(%arg0: i32) -> (i32, i32) {
    %c0_i32 = arith.constant 0 : i32
    %c0_i32_0 = arith.constant 0 : i32
    %c0_i32_1 = arith.constant 0 : i32
    return %c0_i32, %c0_i32_0 : i32, i32
  }
  func.func @transform_6(%arg0: i32) -> (i32, i32) {
    %c0_i32 = arith.constant 0 : i32
    %c0_i32_0 = arith.constant 0 : i32
    %c0_i32_1 = arith.constant 0 : i32
    return %c0_i32, %c0_i32_0 : i32, i32
  }
  func.func @transform_7(%arg0: i32) -> (i32, i32) {
    %c0_i32 = arith.constant 0 : i32
    %c0_i32_0 = arith.constant 0 : i32
    return %arg0, %c0_i32 : i32, i32
  }
}

module attributes {stable_mosaic.version = 14 : i64} {
  func.func @body(%arg0: i32, %arg1: memref<640x128xf32, #tpu.memory_space<vmem>>, %arg2: memref<640x128xf32, #tpu.memory_space<vmem>>, %arg3: memref<640x128xf32, #tpu.memory_space<vmem>>, %arg4: memref<32x640xf32, #tpu.memory_space<vmem>>, %arg5: memref<128x128xf32, #tpu.memory_space<vmem>>, %arg6: memref<1x128xf32, #tpu.memory_space<vmem>>, %arg7: memref<1x128xf32, #tpu.memory_space<vmem>>, %arg8: memref<640x128xf32, #tpu.memory_space<vmem>>) attributes {dimension_semantics = [#tpu.dimension_semantics<arbitrary>], iteration_bounds = array<i64: 16>, scalar_prefetch = 0 : i64, scratch_operands = 0 : i64, tpu.core_type = #tpu.core_type<tc>, window_params = [{transform_indices = @transform_0, window_bounds = array<i64: 640, 128>}, {transform_indices = @transform_1, window_bounds = array<i64: 640, 128>}, {transform_indices = @transform_2, window_bounds = array<i64: 640, 128>}, {transform_indices = @transform_3, window_bounds = array<i64: 32, 640>}, {pipeline_mode = #tpu.pipeline_mode<synchronous>, transform_indices = @transform_4, window_bounds = array<i64: 128, 128>}, {pipeline_mode = #tpu.pipeline_mode<synchronous>, transform_indices = @transform_5, window_bounds = array<i64: 1, 128>}, {pipeline_mode = #tpu.pipeline_mode<synchronous>, transform_indices = @transform_6, window_bounds = array<i64: 1, 128>}, {transform_indices = @transform_7, window_bounds = array<i64: 640, 128>}]} {
    %get3A = arith.constant 0 : index
    %get3A_0 = arith.constant 0 : index
    %get3A_1 = vector.load %arg4[%get3A, %get3A_0] : memref<32x640xf32, #tpu.memory_space<vmem>>, vector<32x640xf32>
    %reduce_sum3A = arith.constant dense<0.000000e+00> : vector<640xf32>
    %reduce_sum3A_2 = vector.multi_reduction <add>, %get3A_1, %reduce_sum3A [0] : vector<32x640xf32> to vector<640xf32>
    %add3A = arith.constant 1.000000e+00 : f32
    %add3A_3 = vector.broadcast %add3A : f32 to vector<640xf32>
    %add3A_4 = arith.addf %add3A_3, %reduce_sum3A_2 : vector<640xf32>
    %rsqrt3A = math.rsqrt %add3A_4 : vector<640xf32>
    %get3A_5 = arith.constant 0 : index
    %get3A_6 = arith.constant 0 : index
    %get3A_7 = vector.load %arg1[%get3A_5, %get3A_6] : memref<640x128xf32, #tpu.memory_space<vmem>>, vector<640x128xf32>
    %get3A_8 = arith.constant 0 : index
    %get3A_9 = arith.constant 0 : index
    %get3A_10 = vector.load %arg2[%get3A_8, %get3A_9] : memref<640x128xf32, #tpu.memory_space<vmem>>, vector<640x128xf32>
    %add3A_11 = arith.addf %get3A_7, %get3A_10 : vector<640x128xf32>
    %get3A_12 = arith.constant 0 : index
    %get3A_13 = arith.constant 0 : index
    %get3A_14 = vector.load %arg3[%get3A_12, %get3A_13] : memref<640x128xf32, #tpu.memory_space<vmem>>, vector<640x128xf32>
    %add3A_15 = arith.addf %add3A_11, %get3A_14 : vector<640x128xf32>
    %broadcast_in_dim3A = vector.shape_cast %rsqrt3A : vector<640xf32> to vector<640x1xf32>
    %mul3A = vector.broadcast %broadcast_in_dim3A : vector<640x1xf32> to vector<640x128xf32>
    %mul3A_16 = arith.mulf %add3A_15, %mul3A : vector<640x128xf32>
    %get3A_17 = arith.constant 0 : index
    %get3A_18 = arith.constant 0 : index
    %get3A_19 = vector.load %arg6[%get3A_17, %get3A_18] : memref<1x128xf32, #tpu.memory_space<vmem>>, vector<1x128xf32>
    %add3A_20 = vector.broadcast %get3A_19 : vector<1x128xf32> to vector<640x128xf32>
    %add3A_21 = arith.addf %mul3A_16, %add3A_20 : vector<640x128xf32>
    %get3A_22 = arith.constant 0 : index
    %get3A_23 = arith.constant 0 : index
    %get3A_24 = vector.load %arg5[%get3A_22, %get3A_23] : memref<128x128xf32, #tpu.memory_space<vmem>>, vector<128x128xf32>
    %dot_general3A = arith.constant dense<0.000000e+00> : vector<640x128xf32>
    %dot_general3A_25 = tpu.matmul %add3A_21, %get3A_24, %dot_general3A {dimension_numbers = #tpu.dot_dimension_numbers<[1], [0], [0], [1], [0, 0, 1, 1], [], []>, transpose_lhs_hint = false} : vector<640x128xf32>, vector<128x128xf32>, vector<640x128xf32> -> vector<640x128xf32>
    %get3A_26 = arith.constant 0 : index
    %get3A_27 = arith.constant 0 : index
    %get3A_28 = vector.load %arg7[%get3A_26, %get3A_27] : memref<1x128xf32, #tpu.memory_space<vmem>>, vector<1x128xf32>
    %add3A_29 = vector.broadcast %get3A_28 : vector<1x128xf32> to vector<640x128xf32>
    %add3A_30 = arith.addf %dot_general3A_25, %add3A_29 : vector<640x128xf32>
    %swap3A = arith.constant 0 : index
    %swap3A_31 = arith.constant 0 : index
    %swap3A_32 = vector.load %arg8[%swap3A, %swap3A_31] : memref<640x128xf32, #tpu.memory_space<vmem>>, vector<640x128xf32>
    tpu.vector_store %arg8[%swap3A, %swap3A_31], %add3A_30 {strides = array<i32>} : memref<640x128xf32, #tpu.memory_space<vmem>>, vector<640x128xf32>,
    return
  }
  func.func @transform_0(%arg0: i32) -> (i32, i32) {
    %c0_i32 = arith.constant 0 : i32
    %c0_i32_0 = arith.constant 0 : i32
    return %arg0, %c0_i32 : i32, i32
  }
  func.func @transform_1(%arg0: i32) -> (i32, i32) {
    %c0_i32 = arith.constant 0 : i32
    %c0_i32_0 = arith.constant 0 : i32
    return %arg0, %c0_i32 : i32, i32
  }
  func.func @transform_2(%arg0: i32) -> (i32, i32) {
    %c0_i32 = arith.constant 0 : i32
    %c0_i32_0 = arith.constant 0 : i32
    return %arg0, %c0_i32 : i32, i32
  }
  func.func @transform_3(%arg0: i32) -> (i32, i32) {
    %c0_i32 = arith.constant 0 : i32
    %c0_i32_0 = arith.constant 0 : i32
    return %c0_i32, %arg0 : i32, i32
  }
  func.func @transform_4(%arg0: i32) -> (i32, i32) {
    %c0_i32 = arith.constant 0 : i32
    %c0_i32_0 = arith.constant 0 : i32
    %c0_i32_1 = arith.constant 0 : i32
    return %c0_i32, %c0_i32_0 : i32, i32
  }
  func.func @transform_5(%arg0: i32) -> (i32, i32) {
    %c0_i32 = arith.constant 0 : i32
    %c0_i32_0 = arith.constant 0 : i32
    %c0_i32_1 = arith.constant 0 : i32
    return %c0_i32, %c0_i32_0 : i32, i32
  }
  func.func @transform_6(%arg0: i32) -> (i32, i32) {
    %c0_i32 = arith.constant 0 : i32
    %c0_i32_0 = arith.constant 0 : i32
    %c0_i32_1 = arith.constant 0 : i32
    return %c0_i32, %c0_i32_0 : i32, i32
  }
  func.func @transform_7(%arg0: i32) -> (i32, i32) {
    %c0_i32 = arith.constant 0 : i32
    %c0_i32_0 = arith.constant 0 : i32
    return %arg0, %c0_i32 : i32, i32
  }
}

</mosaic_0001>

<sc_bundles>
// kernel: kernel.11.cloned.1.call-start
scs
__scs_entry_jumppad:
0x0: {  	(pc) =	sbr.rel $0x88, $3  }
0x1: {  	(tag) =	ssettag $0x0;
	lr =	simm.s32 $0x1  }
0x2: {  	[smem:$0x3F99] =	sst lr;
	_ =	strace $0xD0000000  }
0x3: {  	_ = 	snop  }
0x4: {  	_ = 	snop  }
0x5: {  	_ = 	snop  }
0x6: {  	_ = 	snop  }
0x7: {  	_ = 	snop  }
__scs_overlays_trampoline_lowered:
0x8: {  	[smem:$0x3FA8] =	sst s0  }
0x9: {  	[smem:$0x3FA9] =	sst s1  }
0xa: {  	[smem:$0x3FAA] =	sst s2  }
0xb: {  	[smem:$0x3FAB] =	sst s3  }
0xc: {  	[smem:$0x3FAC] =	sst s4  }
0xd: {  	[smem:$0x3FAD] =	sst s5  }
0xe: {  	[smem:$0x3FAE] =	sst s6  }
0xf: {  	[smem:$0x3FAF] =	sst s7  }
0x10: {  	[smem:$0x3FB0] =	sst s8  }
0x11: {  	[smem:$0x3FB1] =	sst s9;
	s0 =	simm.s32 @!p0 $0x0  }
0x12: {  	s1 =	sld [smem:$0x3F97];
	s0 =	simm.s32 @p0 $0x1  }
0x13: {  	[smem:$0x3FB2] =	sst s0;
	s0 =	simm.s32 @!p1 $0x0  }
0x14: {  	s2 =	sld [smem:$0x3F96];
	s0 =	simm.s32 @p1 $0x1  }
0x15: {  	[smem:$0x3FB3] =	sst s0;
	s0 =	simm.s32 @!p2 $0x0  }
0x16: {  	s3 =	sld [smem:$0x3FDB];
	s0 =	simm.s32 @p2 $0x1  }
0x17: {  	s4 =	simm.s32 $0x1BF5;
	[smem:$0x3FB5] =	sst s0  }
0x18: {  	s0 =	sld [smem:$0x3F98];
	_ =	swait.ge [sflag:s4], $0x0  }
0x19: {  	s7 =	sld [smem:$0x3F99]  }
0x1a: {  	s8 =	sadd.s32 $0xFFFFE003, lr  }
0x1b: {  	s9 =	sadd.s32 $0xFFFFFEF7, lr;
	s5 =	simm.s32 $0xFFFFFFFF;
	p2 =	slt.u32 s8, $0xFFFFF086  }
0x1c: {  	p1 =	slt.u32 s9, $0xF7A;
	s5 =	simm.s32 @!p2 $0x0  }
0x1d: {  	s5 =	simm.s32 @p1 $0x1;
	p0 =	seq.s32 s7, s2  }
0x1e: {  	s7 =	smul.u32 @!p0 $0xF7A, s2;
	p2 =	seq.s32 @!p0 s5, $0x0  }
0x1f: {  	s9 =	smul.u32 $0xF7A, s1;
	s8 =	simm.s32 @!p0 $0x1BF5;
	p2 =	por !p2, p0  }
0x20: {  	[sflag:s8] =	ssyncset.s32 @!p0 $0xFFFFF086;
	s6 =	sadd.s32 @!p0 s3, s7;
	s7 =	simm.s32 @!p0 $0x108  }
0x21: {  	s3 =	sadd.s32 s3, s9;
	s6 =	sadd.s32 @!p0 $0x88, s6;
	s7 =	simm.s32 @p2 $0x1082  }
0x22: {  	[simem:s7], [sflag:s8] =	dma.local @!p0 [hbm:s6], $0xF7A  }
0x23: {  	s9 =	sor.u32 $0xD0000000, s2;
	s6 =	simm.s32 $0x108;
	_ =	swait.ge @!p0 [sflag:s8], $0x0  }
0x24: {  	s3 =	sadd.s32 $0x88, s3;
	s6 =	simm.s32 @!p1 $0x1082;
	[sflag:s4] =	ssyncset.s32 $0xFFFFF086  }
0x25: {  	[simem:s6], [sflag:s4] =	dma.local [hbm:s3], $0xF7A  }
0x26: {  	[smem:$0x3F99] =	sst s1;
	(tag) =	ssettag s2;
	_ =	strace s9  }
0x27: {  	s1 =	sld [smem:$0x3FA9]  }
0x28: {  	s2 =	sld [smem:$0x3FAA]  }
0x29: {  	s4 =	sld [smem:$0x3FAC]  }
0x2a: {  	p0 =	seq.s32 s5, $0x0;
	s5 =	sld [smem:$0x3FAD]  }
0x2b: {  	s6 =	sld [smem:$0x3FAE]  }
0x2c: {  	s7 =	sld [smem:$0x3FAF]  }
0x2d: {  	s3 =	simm.s32 $0x108;
	s8 =	sld [smem:$0x3FB0]  }
0x2e: {  	s3 =	simm.s32 @!p0 $0x1082;
	s9 =	sld [smem:$0x3FB1]  }
0x2f: {  	lr =	sadd.s32 s0, s3;
	s0 =	sld [smem:$0x3FA8]  }
0x30: {  	s3 =	sld [smem:$0x3FAB]  }
0x31: {  	[smem:$0x3FB4] =	sst s10  }
0x32: {  	s10 =	sld [smem:$0x3FB2];
	_ =	sdelay $0x3  }
0x33: {  	p0 =	seq.s32 s10, $0x1;
	s10 =	sld [smem:$0x3FB4];
	_ =	sdelay $0x3  }
0x34: {  	[smem:$0x3FB4] =	sst s10  }
0x35: {  	s10 =	sld [smem:$0x3FB3];
	_ =	sdelay $0x3  }
0x36: {  	p1 =	seq.s32 s10, $0x1;
	s10 =	sld [smem:$0x3FB4];
	_ =	sdelay $0x3  }
0x37: {  	[smem:$0x3FB4] =	sst s10  }
0x38: {  	s10 =	sld [smem:$0x3FB5]  }
0x39: {  	_ = 	snop;
	(pc) =	sbr.ind lr, $3  }
0x3a: {  	_ = 	snop  }
0x3b: {  	_ = 	snop  }
0x3c: {  	p2 =	seq.s32 s10, $0x1;
	s10 =	sld [smem:$0x3FB4]  }
0x3d: {  	_ =	shalt  }
0x3e: {  	_ =	shalt  }
0x3f: {  	_ =	shalt  }
0x40: {  	_ =	shalt  }
0x41: {  	_ =	shalt  }
0x42: {  	_ =	shalt  }
0x43: {  	_ =	shalt  }
0x44: {  	_ =	shalt  }
0x45: {  	_ =	shalt  }
0x46: {  	_ =	shalt  }
0x47: {  	_ =	shalt  }
0x48: {  	_ =	shalt  }
0x49: {  	_ =	shalt  }
0x4a: {  	_ =	shalt  }
0x4b: {  	_ =	shalt  }
0x4c: {  	_ =	shalt  }
0x4d: {  	_ =	shalt  }
0x4e: {  	_ =	shalt  }
0x4f: {  	_ =	shalt  }
0x50: {  	_ =	shalt  }
0x51: {  	_ =	shalt  }
0x52: {  	_ =	shalt  }
0x53: {  	_ =	shalt  }
0x54: {  	_ =	shalt  }
0x55: {  	_ =	shalt  }
0x56: {  	_ =	shalt  }
0x57: {  	_ =	shalt  }
0x58: {  	_ =	shalt  }
0x59: {  	_ =	shalt  }
0x5a: {  	_ =	shalt  }
0x5b: {  	_ =	shalt  }
0x5c: {  	_ =	shalt  }
0x5d: {  	_ =	shalt  }
0x5e: {  	_ =	shalt  }
0x5f: {  	_ =	shalt  }
0x60: {  	_ =	shalt  }
0x61: {  	_ =	shalt  }
0x62: {  	_ =	shalt  }
0x63: {  	_ =	shalt  }
0x64: {  	_ =	shalt  }
0x65: {  	_ =	shalt  }
0x66: {  	_ =	shalt  }
0x67: {  	_ =	shalt  }
0x68: {  	_ =	shalt  }
0x69: {  	_ =	shalt  }
0x6a: {  	_ =	shalt  }
0x6b: {  	_ =	shalt  }
0x6c: {  	_ =	shalt  }
0x6d: {  	_ =	shalt  }
0x6e: {  	_ =	shalt  }
0x6f: {  	_ =	shalt  }
0x70: {  	_ =	shalt  }
0x71: {  	_ =	shalt  }
0x72: {  	_ =	shalt  }
0x73: {  	_ =	shalt  }
0x74: {  	_ =	shalt  }
0x75: {  	_ =	shalt  }
0x76: {  	_ =	shalt  }
0x77: {  	_ =	shalt  }
0x78: {  	_ =	shalt  }
0x79: {  	_ =	shalt  }
0x7a: {  	_ =	shalt  }
0x7b: {  	_ =	shalt  }
0x7c: {  	_ =	shalt  }
0x7d: {  	_ =	shalt  }
0x7e: {  	_ =	shalt  }
0x7f: {  	_ =	shalt  }
0x80: {  	_ =	shalt  }
0x81: {  	_ =	shalt  }
0x82: {  	_ =	shalt  }
0x83: {  	_ =	shalt  }
0x84: {  	_ =	shalt  }
0x85: {  	_ =	shalt  }
0x86: {  	_ =	shalt  }
0x87: {  	_ =	shalt  }
.Lfunc_end0:
.L_simem_size_0:
called_computation.1_lowered:
.L_overlay_start_0:
0x88: {  	s2 =	sld [smem:$0x3FD9]  }
0x89: {  	s3 =	sld [smem:$0x3FFE];
	_ =	sdelay $0x1  }
0x8a: {  	s1 =	srdreg.scid  }
0x8b: {  	s0 =	sand.u32 $0x1, s1  }
0x8c: {  	s17 =	sshll.u32 s0, $0xA;
	s2 =	sadd.s32 s3, s2  }
0x8d: {  	s2 =	sadd.s32 s2, s17  }
0x8e: {  	[smem:$0x3FC0] =	sst s2  }
0x8f: {  	_ = 	snop  }
0x90: {  	s2 =	sld [smem:$0x3FD0];
	(tm) =	ssettm $0x1  }
0x91: {  	s18 =	sld [smem:$0x3FFB];
	_ =	sdelay $0x3  }
0x92: {  	_ =	strace s18  }
0x93: {  	s3 =	sld [smem:$0x3FFC];
	_ =	sdelay $0x3  }
0x94: {  	_ =	strace s3  }
0x95: {  	s3 =	sld [smem:$0x3FFD];
	_ =	sdelay $0x3  }
0x96: {  	_ =	strace s3  }
0x97: {  	_ =	strace $0x8FFFFFFF  }
0x98: {  	s19 =	sld [smem:$0x3FDB];
	_ =	sdelay $0x1  }
0x99: {  	s4 =	simm.s32 $_scs_section_size  }
0x9a: {  	s5 =	simm.s32 $_size__tile_overlayer_lowered;
	s6 =	simm.s32 $_tile_overlayer_lowered  }
0x9b: {  	s22 =	simm.s32 $0x1BFF;
	s21 =	sshll.u32 s6, $0x1;
	s3 =	sadd.s32 s4, s19  }
0x9c: {  	s7 =	simm.s32 $0x0;
	s20 =	sshll.u32 s5, $0x1;
	s5 =	sadd.s32 s21, s3  }
0x9d: {  	[timem:s7], [sflag:s22] =	dma.local [hbm:s5], s20  }
0x9e: {  	_ =	swait.ge [sflag:s22], s20  }
0x9f: {  	s4 =	ssub.s32 $0x0, s20;
	[sflag:s22] =	ssyncset.done $0x0  }
0xa0: {  	[sflag:s22] =	ssyncadd.s32 s4;
	_ =	sdelay $0x1  }
0xa1: {  	s23 =	simm.s32 $0x1B8B  }
0xa2: {  	_ =	swait.ge [sflag:s23], $0x1  }
0xa3: {  	[sflag:s23] =	ssyncset.done $0x0  }
0xa4: {  	s25 =	simm.s32 $0x1B8E;
	s24 =	sld [smem:$0x3FFE];
	[sflag:s23] =	ssyncadd.s32 $0xFFFFFFFF  }
0xa5: {  	s26 =	simm.s32 $execute0_lowered;
	[smem:$0x3FD2] =	sst s25  }
0xa6: {  	s5 =	sshll.u32 s26, $0x1;
	_ =	strace $0x80000049;
	[dreg:$0x1] =	wrdreg $0xFFFFFFFF  }
0xa7: {  	s28 =	simm.s32 $_size_execute0_lowered;
	s3 =	sadd.s32 s3, s5;
	[dreg:$0x0] =	wrdreg $0x0  }
0xa8: {  	s5 =	sshll.u32 s28, $0x1;
	[dreg:$0x2] =	wrdreg s3  }
0xa9: {  	[dreg:$0x3] =	wrdreg s5  }
0xaa: {  	[dreg:$0x4] =	wrdreg $0xC0  }
0xab: {  	_ =	task [dreg:s7], $0x5FFFF  }
0xac: {  	[dreg:$0x1] =	wrdreg $0xFFFFFFFF  }
0xad: {  	[dreg:$0x0] =	wrdreg $0x60  }
0xae: {  	[dreg:$0x2] =	wrdreg s24  }
0xaf: {  	[dreg:$0x3] =	wrdreg s2  }
0xb0: {  	[dreg:$0x4] =	wrdreg $0xA8000  }
0xb1: {  	[dreg:$0x5] =	wrdreg $0x9  }
0xb2: {  	_ =	task.clear_ibuf [dreg:s7], $0x6FFFF;
	_ =	strace $0x90000049  }
0xb3: {  	s29 =	simm.s32 $0x9;
	_ =	strace $0x8000004B  }
0xb4: {  	_ =	swait.ge [sflag:s29], $0x1  }
0xb5: {  	[sflag:s29] =	ssyncadd.s32 $0xFFFFFFFF  }
0xb6: {  	_ =	strace $0x9000004B  }
0xb7: {  	_ =	sfence  }
0xb8: {  	s30 =	sld [smem:$0x0];
	_ =	sdelay $0x2  }
0xb9: {  	s31 =	sshll.u32 s1, $0xD;
	s1 =	sshrl.u32 s1, $0x2  }
0xba: {  	s3 =	sand.u32 $0x4000, s31;
	s1 =	sadd.s32 s1, s30  }
0xbb: {  	s0 =	sor.u32 s3, s0;
	s1 =	sshll.u32 s1, $0x11  }
0xbc: {  	s0 =	sor.u32 s1, s0  }
0xbd: {  	s0 =	sadd.s32 $0x8F2B, s0  }
0xbe: {  	[sflag:s0] =	ssyncadd.remote.s32 $0x1  }
0xbf: {  	_ =	sfence.sel $0xFFFF  }
0xc0: {  	[dreg:$0x0] =	wrdreg $0xFFFFFFFF;
	(pc) =	sbr.abs _section_cstart, $3  }
0xc1: {  	[dreg:$0x1] =	wrdreg $0xFFFFFFFF  }
0xc2: {  	_ =	task.clear_ibuf [dreg:s7], $0x2FFFF;
	_ =	strace $0x9FFFFFFF  }
0xc3: {  	(tm) =	ssettm $0x7FFFFFFF  }
tec
execute0_lowered:
.L_overlay_start_1:
0x0: {  	(tag) =	ssettag $0x1  }
0x1: {  	s16 =	rddreg [dreg:$0x0]  }
0x2: {  	s1 =	rddreg [dreg:$0x1]  }
0x3: {  	s3 =	rddreg [dreg:$0x2];
	s2 =	simm.s32 $0x0  }
0x4: {  	s5 =	srdreg.scid;
	s0 =	stileid.u32;
	s17 =	simm.s32 $0x85E00  }
0x5: {  	s19 =	simm.s32 $0x1400;
	s20 =	simm.s32 $0x80;
	s21 =	simm.s32 $0x6800  }
0x6: {  	s22 =	simm.s32 $0x1;
	s23 =	simm.s32 $0x2;
	s24 =	simm.s32 $0x2700  }
0x7: {  	s25 =	simm.s32 $0x2780;
	s26 =	simm.s32 $0x0;
	s7 =	smul.u32 $0x50000, s0  }
0x8: {  	[smem:$0x7FF] =	sst s2;
	s14 =	sand.u32 $0x1, s5;
	s12 =	smul.u32 $0xA0, s0  }
0x9: {  	s5 =	sadd.s32 $0xDE00, s16;
	s6 =	sadd.s32 $0x35E00, s16;
	s18 =	smul.u32 $0x2800, s0  }
0xa: {  	_ =	strace $0x8000004A;
	s8 =	ssub.s32 $0x2, s14;
	p0 =	seq.s32 s14, $0x1  }
0xb: {  	s9 =	sshrl.u32 s8, $0x1;
	s10 =	sshrl.u32 s7, $0x2;
	s7 =	sadd.s32 $0x3E00, s16  }
0xc: {  	s17 =	simm.s32 @!p0 $0x5DE00;
	p0 =	seq.s32 s14, $0x0;
	s15 =	ssub.s32 s8, s9  }
0xd: {  	s8 =	sadd.s32 s10, s3;
	s16 =	sadd.s32 s17, s16;
	s17 =	simm.s32 $0x2800  }
0xe: {  	s9 =	sadd.s32 $0x4000, s8;
	s10 =	sadd.s32 $0x8000, s8;
	s11 =	sadd.s32 $0xC000, s8  }
0xf: {  	s13 =	sadd.s32 $0x10000, s8;
	s14 =	smax.u32 s15, $0x1;
	s15 =	smov.u32 s6  }
0x10: {  	v0 =	vimm.f32 $0.0e+00;
	s16 =	sadd.s32 s16, s18;
	s18 =	simm.s32 $0x3;
	s15 =	smov.u32 @p0 s5  }
.LBB2_1:
0x11: {  	s0 =	simm.s32 $0x0  }
0x12: {  	s28 =	sand.u32 $0xFE00, s0  }
0x13: {  	s29 =	sand.u32 $0x70, s0;
	s30 =	sshrl.u32 s28, $0x2  }
0x14: {  	s28 =	simm.s32 $0x40;
	s30 =	sor.u32 s29, s30;
	s29 =	simm.s32 $0x0  }
.LBB2_2:
0x15: {  	p1 =	sne.s32 s28, $0xFFC0  }
0x16: {  	[tilespmem:s30+$0x2800] =	vst v0;
	s29 =	sadd.s32 $0x10, s29;
	s30 =	smov.u32 s28;
	s28 =	sadd.s32 $0x40, s28  }
.Ltmp0:
0x17: {  	(pc) =	sbr.rel @p1 .LBB2_2-.Ltmp0, $4  }
0x18: {  	_ = 	snop  }
0x19: {  	s30 =	sand.u32 $0xFE00, s30  }
0x1a: {  	s31 =	sand.u32 $0x70, s29;
	s30 =	sshrl.u32 s30, $0x2  }
0x1b: {  	s30 =	sor.u32 s31, s30  }
0x1c: {  	[tilespmem:s30+$0x2800] =	vst v0  }
0x1d: {  	[spmem:s8] =	stream.linear.scatter [tilespmem:s17], [sflag:$0x3], $0x4000, $0x38;
	[tilespmem:$0x1E800] =	vst v63  }
0x1e: {  	_ =	swait.ge [sflag:s18], $0x4000  }
0x1f: {  	[sflag:s18] =	ssyncset.done $0x0  }
0x20: {  	[sflag:s18] =	ssyncadd.s32 $0xFFFFC000  }
0x21: {  	[spmem:s9] =	stream.linear.scatter [tilespmem:s17], [sflag:$0x3], $0x4000, $0x38;
	[tilespmem:$0x1E800] =	vst v63  }
0x22: {  	_ =	swait.ge [sflag:s18], $0x4000  }
0x23: {  	[sflag:s18] =	ssyncset.done $0x0  }
0x24: {  	[sflag:s18] =	ssyncadd.s32 $0xFFFFC000  }
0x25: {  	[spmem:s10] =	stream.linear.scatter [tilespmem:s17], [sflag:$0x3], $0x4000, $0x38;
	[tilespmem:$0x1E800] =	vst v63  }
0x26: {  	_ =	swait.ge [sflag:s18], $0x4000  }
0x27: {  	[sflag:s18] =	ssyncset.done $0x0  }
0x28: {  	[sflag:s18] =	ssyncadd.s32 $0xFFFFC000  }
0x29: {  	[spmem:s11] =	stream.linear.scatter [tilespmem:s17], [sflag:$0x3], $0x4000, $0x38;
	[tilespmem:$0x1E800] =	vst v63  }
0x2a: {  	_ =	swait.ge [sflag:s18], $0x4000  }
0x2b: {  	[sflag:s18] =	ssyncset.done $0x0  }
0x2c: {  	[sflag:s18] =	ssyncadd.s32 $0xFFFFC000  }
0x2d: {  	[spmem:s13] =	stream.linear.scatter [tilespmem:s17], [sflag:$0x3], $0x4000, $0x38;
	[tilespmem:$0x1E800] =	vst v63  }
0x2e: {  	_ =	swait.ge [sflag:s18], $0x4000  }
0x2f: {  	[sflag:s18] =	ssyncset.done $0x0  }
0x30: {  	[sflag:s18] =	ssyncadd.s32 $0xFFFFC000  }
0x31: {  	s28 =	simm.s32 $0x0;
	s29 =	simm.s32 $0x0;
	[bflag:$0x0] =	sbarrier.arrive $0xFFFF  }
.LBB2_4:
0x32: {  	s30 =	smul.u32 $0x28, s29;
	_ =	sdelay $0x1  }
0x33: {  	s30 =	sadd.s32 s12, s30  }
0x34: {  	s30 =	sshll.u32 s30, $0x4  }
0x35: {  	s31 =	sadd.s32 s1, s30  }
0x36: {  	[tilespmem:s28], [sflag:$0x3] =	stream.linear.gather [hbm4b:s31+s28], $0x1400, $0x38;
	[tilespmem:$0x1E800] =	vst v63  }
0x37: {  	_ =	swait.ge [sflag:s18], $0x1400  }
0x38: {  	[sflag:s18] =	ssyncset.done $0x0  }
0x39: {  	s30 =	sadd.s32 s7, s30;
	[sflag:s18] =	ssyncadd.s32 $0xFFFFEC00  }
0x3a: {  	[tilespmem:s19], [sflag:$0x3] =	stream.linear.gather [hbm4b:s30+s28], $0x1400, $0x38;
	[tilespmem:$0x1E800] =	vst v63  }
0x3b: {  	_ =	swait.ge [sflag:s18], $0x1400  }
0x3c: {  	[sflag:s18] =	ssyncset.done $0x0  }
0x3d: {  	[sflag:s18] =	ssyncadd.s32 $0xFFFFEC00  }
0x3e: {  	[tilespmem:s17], [sflag:$0x1] =	stream.indirect.gather [hbm4b:s15+s20], $0x80, s28, s20, $0xb8;
	[tilespmem:$0x1E800] =	vst v63  }
0x3f: {  	s30 =	simm.s32 $0x80  }
0x40: {  	[tilespmem:s21], [sflag:$0x2] =	stream.indirect.gather [hbm4b:s15+s20], $0x80, s30, s20, $0xb8;
	[tilespmem:$0x1E800] =	vst v63  }
0x41: {  	_ =	swait.ge [sflag:s22], $0x4000  }
0x42: {  	[sflag:s22] =	ssyncset.done $0x0  }
0x43: {  	s30 =	simm.s32 $0x1400;
	[sflag:s22] =	ssyncadd.s32 $0xFFFFC000  }
0x44: {  	[spmem:s3] =	stream.indirect.scatter.add.f32 [tilespmem:s17], [sflag:$0x3], $0x80, s30, s20, $0xb8;
	[tilespmem:$0x1E800] =	vst v63  }
0x45: {  	_ =	swait.ge [sflag:s18], $0x4000  }
0x46: {  	[sflag:s18] =	ssyncset.done $0x0  }
0x47: {  	s30 =	simm.s32 $0x100;
	[sflag:s18] =	ssyncadd.s32 $0xFFFFC000  }
0x48: {  	[tilespmem:s17], [sflag:$0x1] =	stream.indirect.gather [hbm4b:s15+s20], $0x80, s30, s20, $0xb8;
	[tilespmem:$0x1E800] =	vst v63  }
0x49: {  	_ =	swait.ge [sflag:s23], $0x4000  }
0x4a: {  	[sflag:s23] =	ssyncset.done $0x0  }
0x4b: {  	s30 =	simm.s32 $0x1480;
	[sflag:s23] =	ssyncadd.s32 $0xFFFFC000  }
0x4c: {  	[spmem:s3] =	stream.indirect.scatter.add.f32 [tilespmem:s21], [sflag:$0x3], $0x80, s30, s20, $0xb8;
	[tilespmem:$0x1E800] =	vst v63  }
0x4d: {  	_ =	swait.ge [sflag:s18], $0x4000  }
0x4e: {  	s31 =	simm.s32 $0x800;
	s30 =	simm.s32 $0x100;
	[sflag:s18] =	ssyncset.done $0x0  }
.LBB2_5:
0x4f: {  	s0 =	sadd.s32 $0x80, s30  }
0x50: {  	[sflag:s18] =	ssyncadd.s32 $0xFFFFC000;
	s2 =	smov.u32 s31;
	s4 =	sadd.s32 $0x400, s31  }
0x51: {  	[tilespmem:s21], [sflag:$0x2] =	stream.indirect.gather [hbm4b:s15+s20], $0x80, s0, s20, $0xb8;
	[tilespmem:$0x1E800] =	vst v63  }
0x52: {  	p1 =	sne.s32 s31, $0x4800;
	_ =	swait.ge [sflag:s22], $0x4000  }
0x53: {  	[sflag:s22] =	ssyncset.done $0x0  }
0x54: {  	s0 =	sadd.s32 $0x1400, s30;
	[sflag:s22] =	ssyncadd.s32 $0xFFFFC000  }
0x55: {  	[spmem:s3] =	stream.indirect.scatter.add.f32 [tilespmem:s17], [sflag:$0x3], $0x80, s0, s20, $0xb8;
	[tilespmem:$0x1E800] =	vst v63  }
0x56: {  	_ =	swait.ge [sflag:s18], $0x4000  }
0x57: {  	[sflag:s18] =	ssyncset.done $0x0  }
0x58: {  	s0 =	sadd.s32 $0x100, s30;
	[sflag:s18] =	ssyncadd.s32 $0xFFFFC000  }
0x59: {  	[tilespmem:s17], [sflag:$0x1] =	stream.indirect.gather [hbm4b:s15+s20], $0x80, s0, s20, $0xb8;
	[tilespmem:$0x1E800] =	vst v63  }
0x5a: {  	_ =	swait.ge [sflag:s23], $0x4000  }
.Ltmp1:
0x5b: {  	[sflag:s23] =	ssyncset.done $0x0;
	(pc) =	sbr.rel @p1 .LBB2_5-.Ltmp1, $4  }
0x5c: {  	s0 =	sadd.s32 $0x1480, s30;
	[sflag:s23] =	ssyncadd.s32 $0xFFFFC000  }
0x5d: {  	[spmem:s3] =	stream.indirect.scatter.add.f32 [tilespmem:s21], [sflag:$0x3], $0x80, s0, s20, $0xb8;
	[tilespmem:$0x1E800] =	vst v63  }
0x5e: {  	_ =	swait.ge [sflag:s18], $0x4000  }
0x5f: {  	s31 =	smov.u32 s4;
	s30 =	sshra.s32 s2, $0x2;
	[sflag:s18] =	ssyncset.done $0x0  }
0x60: {  	s0 =	sadd.s32 $0x80, s30;
	[sflag:s18] =	ssyncadd.s32 $0xFFFFC000  }
0x61: {  	[tilespmem:s21], [sflag:$0x2] =	stream.indirect.gather [hbm4b:s15+s20], $0x80, s0, s20, $0xb8;
	[tilespmem:$0x1E800] =	vst v63  }
0x62: {  	_ =	swait.ge [sflag:s22], $0x4000  }
0x63: {  	[sflag:s22] =	ssyncset.done $0x0  }
0x64: {  	s2 =	sadd.s32 $0x1400, s30;
	[sflag:s22] =	ssyncadd.s32 $0xFFFFC000  }
0x65: {  	[spmem:s3] =	stream.indirect.scatter.add.f32 [tilespmem:s17], [sflag:$0x3], $0x80, s2, s20, $0xb8;
	[tilespmem:$0x1E800] =	vst v63  }
0x66: {  	_ =	swait.ge [sflag:s18], $0x4000  }
0x67: {  	[sflag:s18] =	ssyncset.done $0x0  }
0x68: {  	s4 =	sadd.s32 $0x100, s30;
	[sflag:s18] =	ssyncadd.s32 $0xFFFFC000  }
0x69: {  	[tilespmem:s17], [sflag:$0x1] =	stream.indirect.gather [hbm4b:s15+s20], $0x80, s4, s20, $0xb8;
	[tilespmem:$0x1E800] =	vst v63  }
0x6a: {  	_ =	swait.ge [sflag:s23], $0x4000  }
0x6b: {  	[sflag:s23] =	ssyncset.done $0x0  }
0x6c: {  	s31 =	sadd.s32 $0x1480, s30;
	[sflag:s23] =	ssyncadd.s32 $0xFFFFC000  }
0x6d: {  	[spmem:s3] =	stream.indirect.scatter.add.f32 [tilespmem:s21], [sflag:$0x3], $0x80, s31, s20, $0xb8;
	[tilespmem:$0x1E800] =	vst v63  }
0x6e: {  	_ =	swait.ge [sflag:s18], $0x4000  }
0x6f: {  	s0 =	simm.s32 @p0 $0x80;
	[sflag:s18] =	ssyncset.done $0x0  }
0x70: {  	s2 =	simm.s32 @p0 $0x1380;
	s4 =	simm.s32 @p0 $0x6800;
	[sflag:s18] =	ssyncadd.s32 $0xFFFFC000  }
0x71: {  	[tilespmem:s4], [sflag:$0x2] =	stream.indirect.gather @p0 [hbm4b:s5+s0], $0x80, s2, s0, $0xb8;
	[tilespmem:$0x1E800] =	vst v63  }
0x72: {  	s0 =	simm.s32 @!p0 $0x80;
	s2 =	simm.s32 @!p0 $0x1380;
	s4 =	simm.s32 @!p0 $0x6800  }
0x73: {  	[tilespmem:s4], [sflag:$0x2] =	stream.indirect.gather @!p0 [hbm4b:s6+s0], $0x80, s2, s0, $0xb8;
	[tilespmem:$0x1E800] =	vst v63  }
0x74: {  	_ =	swait.ge [sflag:s22], $0x4000  }
0x75: {  	[sflag:s22] =	ssyncset.done $0x0  }
0x76: {  	[sflag:s22] =	ssyncadd.s32 $0xFFFFC000  }
0x77: {  	[spmem:s3] =	stream.indirect.scatter.add.f32 [tilespmem:s17], [sflag:$0x3], $0x80, s24, s20, $0xb8;
	[tilespmem:$0x1E800] =	vst v63  }
0x78: {  	_ =	swait.ge [sflag:s18], $0x4000  }
0x79: {  	[sflag:s18] =	ssyncset.done $0x0  }
0x7a: {  	[sflag:s18] =	ssyncadd.s32 $0xFFFFC000  }
0x7b: {  	s29 =	sadd.s32 $0x1, s29;
	_ =	swait.ge [sflag:s23], $0x4000  }
0x7c: {  	p1 =	sne.s32 s29, $0x4;
	[sflag:s23] =	ssyncset.done $0x0  }
.Ltmp2:
0x7d: {  	[sflag:s23] =	ssyncadd.s32 $0xFFFFC000;
	(pc) =	sbr.rel @p1 .LBB2_4-.Ltmp2, $4  }
0x7e: {  	[spmem:s3] =	stream.indirect.scatter.add.f32 [tilespmem:s21], [sflag:$0x3], $0x80, s25, s20, $0xb8;
	[tilespmem:$0x1E800] =	vst v63  }
0x7f: {  	_ =	swait.ge [sflag:s18], $0x4000  }
0x80: {  	[sflag:s18] =	ssyncset.done $0x0  }
0x81: {  	[sflag:s18] =	ssyncadd.s32 $0xFFFFC000  }
0x82: {  	s0 =	stileid.u32;
	s26 =	sadd.s32 $0x1, s26  }
0x83: {  	[bflag:$0x0] =	sbarrier.arrive $0xFFFF;
	s0 =	sshll.u32 s0, $0x6;
	p1 =	sne.s32 s26, s14  }
.Ltmp3:
0x84: {  	s2 =	sshrl.u32 s8, $0x3;
	s0 =	sor.u32 $0x1C03, s0;
	(pc) =	sbr.rel @p1 .LBB2_1-.Ltmp3, $4  }
0x85: {  	[hbm:s16], [sflag:s0] =	dma.local [spmem:s2], $0x2800  }
0x86: {  	_ =	swait.ge [sflag:s18], $0x2800  }
0x87: {  	[sflag:s18] =	ssyncset.done $0x0  }
0x88: {  	[sflag:s18] =	ssyncadd.s32 $0xFFFFD800  }
0x89: {  	_ =	sfence.sel $0x180000  }
0x8a: {  	[bflag:$0x0] =	sbarrier.arrive $0xFFFF  }
0x8b: {  	_ =	strace $0x9000004A  }
0x8c: {  	s0 =	stileid.u32;
	[bflag:$0x2] =	sbarrier.arrive $0xFFFF  }
0x8d: {  	p0 =	sne.s32 s0, $0x0;
	s0 =	rddreg [dreg:$0x3]  }
0x8e: {  	s0 =	sadd.s32 @!p0 $0x100000, s0  }
0x8f: {  	[sflag:s0] =	ssyncadd.tile.s32 @!p0 $0x1;
	_ =	shalt  }
.Lfunc_end2:
_tile_overlayer_lowered:
.L_overlay_start_2:
0x90: {  	(tag) =	ssettag $0x2  }
0x91: {  	s0 =	rddreg [dreg:$0x0];
	s2 =	stileid.u32  }
0x92: {  	s1 =	rddreg [dreg:$0x1];
	p0 =	sne.s32 s2, $0x0  }
0x93: {  	s3 =	rddreg [dreg:$0x2];
	[bflag:$0x3] =	sbarrier.arrive $0xFFFF;
	s2 =	simm.s32 @!p0 $0x1C03  }
0x94: {  	[timem:s3], [sflag:s2] =	dma.local @!p0 [hbm:s0], s1  }
0x95: {  	s0 =	simm.s32 @!p0 $0x3  }
0x96: {  	_ =	swait.ge @!p0 [sflag:s0], s1  }
0x97: {  	s1 =	ssub.s32 @!p0 $0x0, s1;
	[sflag:s0] =	ssyncset.done @!p0 $0x0  }
0x98: {  	[sflag:s0] =	ssyncadd.s32 @!p0 s1  }
0x99: {  	[bflag:$0x3] =	sbarrier.arrive $0xFFFF  }
0x9a: {  	_ =	shalt  }

// kernel: kernel.14.cloned.1.call-start
scs
__scs_entry_jumppad:
0x0: {  	(pc) =	sbr.rel $0x88, $3  }
0x1: {  	(tag) =	ssettag $0x0;
	lr =	simm.s32 $0x1  }
0x2: {  	[smem:$0x3F99] =	sst lr;
	_ =	strace $0xD0000000  }
0x3: {  	_ = 	snop  }
0x4: {  	_ = 	snop  }
0x5: {  	_ = 	snop  }
0x6: {  	_ = 	snop  }
0x7: {  	_ = 	snop  }
__scs_overlays_trampoline_lowered:
0x8: {  	[smem:$0x3FA8] =	sst s0  }
0x9: {  	[smem:$0x3FA9] =	sst s1  }
0xa: {  	[smem:$0x3FAA] =	sst s2  }
0xb: {  	[smem:$0x3FAB] =	sst s3  }
0xc: {  	[smem:$0x3FAC] =	sst s4  }
0xd: {  	[smem:$0x3FAD] =	sst s5  }
0xe: {  	[smem:$0x3FAE] =	sst s6  }
0xf: {  	[smem:$0x3FAF] =	sst s7  }
0x10: {  	[smem:$0x3FB0] =	sst s8  }
0x11: {  	[smem:$0x3FB1] =	sst s9;
	s0 =	simm.s32 @!p0 $0x0  }
0x12: {  	s1 =	sld [smem:$0x3F97];
	s0 =	simm.s32 @p0 $0x1  }
0x13: {  	[smem:$0x3FB2] =	sst s0;
	s0 =	simm.s32 @!p1 $0x0  }
0x14: {  	s2 =	sld [smem:$0x3F96];
	s0 =	simm.s32 @p1 $0x1  }
0x15: {  	[smem:$0x3FB3] =	sst s0;
	s0 =	simm.s32 @!p2 $0x0  }
0x16: {  	s3 =	sld [smem:$0x3FDB];
	s0 =	simm.s32 @p2 $0x1  }
0x17: {  	s4 =	simm.s32 $0x1BF5;
	[smem:$0x3FB5] =	sst s0  }
0x18: {  	s0 =	sld [smem:$0x3F98];
	_ =	swait.ge [sflag:s4], $0x0  }
0x19: {  	s7 =	sld [smem:$0x3F99]  }
0x1a: {  	s8 =	sadd.s32 $0xFFFFE003, lr  }
0x1b: {  	s9 =	sadd.s32 $0xFFFFFEF7, lr;
	s5 =	simm.s32 $0xFFFFFFFF;
	p2 =	slt.u32 s8, $0xFFFFF086  }
0x1c: {  	p1 =	slt.u32 s9, $0xF7A;
	s5 =	simm.s32 @!p2 $0x0  }
0x1d: {  	s5 =	simm.s32 @p1 $0x1;
	p0 =	seq.s32 s7, s2  }
0x1e: {  	s7 =	smul.u32 @!p0 $0xF7A, s2;
	p2 =	seq.s32 @!p0 s5, $0x0  }
0x1f: {  	s9 =	smul.u32 $0xF7A, s1;
	s8 =	simm.s32 @!p0 $0x1BF5;
	p2 =	por !p2, p0  }
0x20: {  	[sflag:s8] =	ssyncset.s32 @!p0 $0xFFFFF086;
	s6 =	sadd.s32 @!p0 s3, s7;
	s7 =	simm.s32 @!p0 $0x108  }
0x21: {  	s3 =	sadd.s32 s3, s9;
	s6 =	sadd.s32 @!p0 $0x88, s6;
	s7 =	simm.s32 @p2 $0x1082  }
0x22: {  	[simem:s7], [sflag:s8] =	dma.local @!p0 [hbm:s6], $0xF7A  }
0x23: {  	s9 =	sor.u32 $0xD0000000, s2;
	s6 =	simm.s32 $0x108;
	_ =	swait.ge @!p0 [sflag:s8], $0x0  }
0x24: {  	s3 =	sadd.s32 $0x88, s3;
	s6 =	simm.s32 @!p1 $0x1082;
	[sflag:s4] =	ssyncset.s32 $0xFFFFF086  }
0x25: {  	[simem:s6], [sflag:s4] =	dma.local [hbm:s3], $0xF7A  }
0x26: {  	[smem:$0x3F99] =	sst s1;
	(tag) =	ssettag s2;
	_ =	strace s9  }
0x27: {  	s1 =	sld [smem:$0x3FA9]  }
0x28: {  	s2 =	sld [smem:$0x3FAA]  }
0x29: {  	s4 =	sld [smem:$0x3FAC]  }
0x2a: {  	p0 =	seq.s32 s5, $0x0;
	s5 =	sld [smem:$0x3FAD]  }
0x2b: {  	s6 =	sld [smem:$0x3FAE]  }
0x2c: {  	s7 =	sld [smem:$0x3FAF]  }
0x2d: {  	s3 =	simm.s32 $0x108;
	s8 =	sld [smem:$0x3FB0]  }
0x2e: {  	s3 =	simm.s32 @!p0 $0x1082;
	s9 =	sld [smem:$0x3FB1]  }
0x2f: {  	lr =	sadd.s32 s0, s3;
	s0 =	sld [smem:$0x3FA8]  }
0x30: {  	s3 =	sld [smem:$0x3FAB]  }
0x31: {  	[smem:$0x3FB4] =	sst s10  }
0x32: {  	s10 =	sld [smem:$0x3FB2];
	_ =	sdelay $0x3  }
0x33: {  	p0 =	seq.s32 s10, $0x1;
	s10 =	sld [smem:$0x3FB4];
	_ =	sdelay $0x3  }
0x34: {  	[smem:$0x3FB4] =	sst s10  }
0x35: {  	s10 =	sld [smem:$0x3FB3];
	_ =	sdelay $0x3  }
0x36: {  	p1 =	seq.s32 s10, $0x1;
	s10 =	sld [smem:$0x3FB4];
	_ =	sdelay $0x3  }
0x37: {  	[smem:$0x3FB4] =	sst s10  }
0x38: {  	s10 =	sld [smem:$0x3FB5]  }
0x39: {  	_ = 	snop;
	(pc) =	sbr.ind lr, $3  }
0x3a: {  	_ = 	snop  }
0x3b: {  	_ = 	snop  }
0x3c: {  	p2 =	seq.s32 s10, $0x1;
	s10 =	sld [smem:$0x3FB4]  }
0x3d: {  	_ =	shalt  }
0x3e: {  	_ =	shalt  }
0x3f: {  	_ =	shalt  }
0x40: {  	_ =	shalt  }
0x41: {  	_ =	shalt  }
0x42: {  	_ =	shalt  }
0x43: {  	_ =	shalt  }
0x44: {  	_ =	shalt  }
0x45: {  	_ =	shalt  }
0x46: {  	_ =	shalt  }
0x47: {  	_ =	shalt  }
0x48: {  	_ =	shalt  }
0x49: {  	_ =	shalt  }
0x4a: {  	_ =	shalt  }
0x4b: {  	_ =	shalt  }
0x4c: {  	_ =	shalt  }
0x4d: {  	_ =	shalt  }
0x4e: {  	_ =	shalt  }
0x4f: {  	_ =	shalt  }
0x50: {  	_ =	shalt  }
0x51: {  	_ =	shalt  }
0x52: {  	_ =	shalt  }
0x53: {  	_ =	shalt  }
0x54: {  	_ =	shalt  }
0x55: {  	_ =	shalt  }
0x56: {  	_ =	shalt  }
0x57: {  	_ =	shalt  }
0x58: {  	_ =	shalt  }
0x59: {  	_ =	shalt  }
0x5a: {  	_ =	shalt  }
0x5b: {  	_ =	shalt  }
0x5c: {  	_ =	shalt  }
0x5d: {  	_ =	shalt  }
0x5e: {  	_ =	shalt  }
0x5f: {  	_ =	shalt  }
0x60: {  	_ =	shalt  }
0x61: {  	_ =	shalt  }
0x62: {  	_ =	shalt  }
0x63: {  	_ =	shalt  }
0x64: {  	_ =	shalt  }
0x65: {  	_ =	shalt  }
0x66: {  	_ =	shalt  }
0x67: {  	_ =	shalt  }
0x68: {  	_ =	shalt  }
0x69: {  	_ =	shalt  }
0x6a: {  	_ =	shalt  }
0x6b: {  	_ =	shalt  }
0x6c: {  	_ =	shalt  }
0x6d: {  	_ =	shalt  }
0x6e: {  	_ =	shalt  }
0x6f: {  	_ =	shalt  }
0x70: {  	_ =	shalt  }
0x71: {  	_ =	shalt  }
0x72: {  	_ =	shalt  }
0x73: {  	_ =	shalt  }
0x74: {  	_ =	shalt  }
0x75: {  	_ =	shalt  }
0x76: {  	_ =	shalt  }
0x77: {  	_ =	shalt  }
0x78: {  	_ =	shalt  }
0x79: {  	_ =	shalt  }
0x7a: {  	_ =	shalt  }
0x7b: {  	_ =	shalt  }
0x7c: {  	_ =	shalt  }
0x7d: {  	_ =	shalt  }
0x7e: {  	_ =	shalt  }
0x7f: {  	_ =	shalt  }
0x80: {  	_ =	shalt  }
0x81: {  	_ =	shalt  }
0x82: {  	_ =	shalt  }
0x83: {  	_ =	shalt  }
0x84: {  	_ =	shalt  }
0x85: {  	_ =	shalt  }
0x86: {  	_ =	shalt  }
0x87: {  	_ =	shalt  }
.Lfunc_end0:
.L_simem_size_0:
called_computation.2_lowered:
.L_overlay_start_0:
0x88: {  	s2 =	sld [smem:$0x3FD9]  }
0x89: {  	s3 =	sld [smem:$0x3FFE];
	_ =	sdelay $0x1  }
0x8a: {  	s1 =	srdreg.scid  }
0x8b: {  	s0 =	sand.u32 $0x1, s1  }
0x8c: {  	s17 =	sshll.u32 s0, $0xA;
	s2 =	sadd.s32 s3, s2  }
0x8d: {  	s2 =	sadd.s32 s2, s17  }
0x8e: {  	[smem:$0x3FC0] =	sst s2  }
0x8f: {  	_ = 	snop  }
0x90: {  	s2 =	sld [smem:$0x3FD0];
	(tm) =	ssettm $0x1  }
0x91: {  	s18 =	sld [smem:$0x3FFB];
	_ =	sdelay $0x3  }
0x92: {  	_ =	strace s18  }
0x93: {  	s3 =	sld [smem:$0x3FFC];
	_ =	sdelay $0x3  }
0x94: {  	_ =	strace s3  }
0x95: {  	s3 =	sld [smem:$0x3FFD];
	_ =	sdelay $0x3  }
0x96: {  	_ =	strace s3  }
0x97: {  	_ =	strace $0x8FFFFFFF  }
0x98: {  	s19 =	sld [smem:$0x3FDB];
	_ =	sdelay $0x1  }
0x99: {  	s4 =	simm.s32 $_scs_section_size  }
0x9a: {  	s5 =	simm.s32 $_size__tile_overlayer_lowered;
	s6 =	simm.s32 $_tile_overlayer_lowered  }
0x9b: {  	s22 =	simm.s32 $0x1BFF;
	s21 =	sshll.u32 s6, $0x1;
	s3 =	sadd.s32 s4, s19  }
0x9c: {  	s7 =	simm.s32 $0x0;
	s20 =	sshll.u32 s5, $0x1;
	s5 =	sadd.s32 s21, s3  }
0x9d: {  	[timem:s7], [sflag:s22] =	dma.local [hbm:s5], s20  }
0x9e: {  	_ =	swait.ge [sflag:s22], s20  }
0x9f: {  	s4 =	ssub.s32 $0x0, s20;
	[sflag:s22] =	ssyncset.done $0x0  }
0xa0: {  	[sflag:s22] =	ssyncadd.s32 s4;
	_ =	sdelay $0x1  }
0xa1: {  	s23 =	simm.s32 $0x1B8B  }
0xa2: {  	_ =	swait.ge [sflag:s23], $0x1  }
0xa3: {  	[sflag:s23] =	ssyncset.done $0x0  }
0xa4: {  	s25 =	simm.s32 $0x1B8E;
	s24 =	sld [smem:$0x3FFE];
	[sflag:s23] =	ssyncadd.s32 $0xFFFFFFFF  }
0xa5: {  	s26 =	simm.s32 $execute0_lowered;
	[smem:$0x3FD2] =	sst s25  }
0xa6: {  	s5 =	sshll.u32 s26, $0x1;
	_ =	strace $0x8000004C;
	[dreg:$0x1] =	wrdreg $0xFFFFFFFF  }
0xa7: {  	s28 =	simm.s32 $_size_execute0_lowered;
	s3 =	sadd.s32 s3, s5;
	[dreg:$0x0] =	wrdreg $0x0  }
0xa8: {  	s5 =	sshll.u32 s28, $0x1;
	[dreg:$0x2] =	wrdreg s3  }
0xa9: {  	[dreg:$0x3] =	wrdreg s5  }
0xaa: {  	[dreg:$0x4] =	wrdreg $0xC0  }
0xab: {  	_ =	task [dreg:s7], $0x5FFFF  }
0xac: {  	[dreg:$0x1] =	wrdreg $0xFFFFFFFF  }
0xad: {  	[dreg:$0x0] =	wrdreg $0x60  }
0xae: {  	[dreg:$0x2] =	wrdreg s24  }
0xaf: {  	[dreg:$0x3] =	wrdreg s2  }
0xb0: {  	[dreg:$0x4] =	wrdreg $0xA8000  }
0xb1: {  	[dreg:$0x5] =	wrdreg $0x9  }
0xb2: {  	_ =	task.clear_ibuf [dreg:s7], $0x6FFFF;
	_ =	strace $0x9000004C  }
0xb3: {  	s29 =	simm.s32 $0x9;
	_ =	strace $0x8000004E  }
0xb4: {  	_ =	swait.ge [sflag:s29], $0x1  }
0xb5: {  	[sflag:s29] =	ssyncadd.s32 $0xFFFFFFFF  }
0xb6: {  	_ =	strace $0x9000004E  }
0xb7: {  	_ =	sfence  }
0xb8: {  	s30 =	sld [smem:$0x0];
	_ =	sdelay $0x2  }
0xb9: {  	s31 =	sshll.u32 s1, $0xD;
	s1 =	sshrl.u32 s1, $0x2  }
0xba: {  	s3 =	sand.u32 $0x4000, s31;
	s1 =	sadd.s32 s1, s30  }
0xbb: {  	s0 =	sor.u32 s3, s0;
	s1 =	sshll.u32 s1, $0x11  }
0xbc: {  	s0 =	sor.u32 s1, s0  }
0xbd: {  	s0 =	sadd.s32 $0x8F2B, s0  }
0xbe: {  	[sflag:s0] =	ssyncadd.remote.s32 $0x1  }
0xbf: {  	_ =	sfence.sel $0xFFFF  }
0xc0: {  	[dreg:$0x0] =	wrdreg $0xFFFFFFFF;
	(pc) =	sbr.abs _section_cstart, $3  }
0xc1: {  	[dreg:$0x1] =	wrdreg $0xFFFFFFFF  }
0xc2: {  	_ =	task.clear_ibuf [dreg:s7], $0x2FFFF;
	_ =	strace $0x9FFFFFFF  }
0xc3: {  	(tm) =	ssettm $0x7FFFFFFF  }
tec
execute0_lowered:
.L_overlay_start_1:
0x0: {  	(tag) =	ssettag $0x1  }
0x1: {  	s15 =	rddreg [dreg:$0x0]  }
0x2: {  	s13 =	rddreg [dreg:$0x1]  }
0x3: {  	s2 =	rddreg [dreg:$0x2];
	s3 =	simm.s32 $0x0;
	s1 =	stileid.u32  }
0x4: {  	s5 =	srdreg.scid;
	s18 =	simm.s32 $0x5DE00;
	s19 =	simm.s32 $0x80  }
0x5: {  	s20 =	simm.s32 $0x6800;
	s21 =	simm.s32 $0x1;
	s22 =	simm.s32 $0x2  }
0x6: {  	s23 =	simm.s32 $0x1380;
	s24 =	simm.s32 $0x2700;
	s25 =	simm.s32 $0x2780  }
0x7: {  	s26 =	simm.s32 $0x0;
	[smem:$0x7FF] =	sst s3;
	s6 =	smul.u32 $0x50000, s1  }
0x8: {  	s4 =	sadd.s32 $0xDE00, s15;
	s10 =	sand.u32 $0x1, s5;
	s14 =	sadd.s32 $0x3E00, s15  }
0x9: {  	s17 =	smul.u32 $0x2800, s1;
	_ =	strace $0x8000004D;
	s7 =	ssub.s32 $0x2, s10  }
0xa: {  	s8 =	sshll.u32 s10, $0x4;
	p0 =	seq.s32 s10, $0x1;
	s30 =	sshrl.u32 s6, $0x2  }
0xb: {  	s31 =	sshrl.u32 s7, $0x1;
	s9 =	sor.u32 s1, s8;
	s18 =	simm.s32 @!p0 $0x35E00  }
0xc: {  	s5 =	sadd.s32 s30, s2;
	s11 =	ssub.s32 s7, s31;
	s16 =	smul.u32 $0x500, s9  }
0xd: {  	s15 =	sadd.s32 s18, s15;
	s18 =	simm.s32 $0x1400;
	s6 =	sadd.s32 $0x4000, s5  }
0xe: {  	s7 =	sadd.s32 $0x8000, s5;
	s8 =	sadd.s32 $0xC000, s5;
	s9 =	sadd.s32 $0x10000, s5  }
0xf: {  	s10 =	smax.u32 s11, $0x1;
	s15 =	sadd.s32 s15, s17;
	s17 =	simm.s32 $0x3  }
0x10: {  	s11 =	sadd.s32 s13, s16;
	s12 =	sadd.s32 s14, s16;
	s16 =	sadd.s32 $0x280, s16  }
0x11: {  	v0 =	vimm.f32 $0.0e+00;
	s13 =	sadd.s32 s13, s16;
	s14 =	sadd.s32 s14, s16;
	s16 =	simm.s32 $0x2800  }
.LBB2_1:
0x12: {  	s28 =	sand.u32 $0xFE00, s3  }
0x13: {  	s29 =	sand.u32 $0x70, s3;
	s30 =	sshrl.u32 s28, $0x2  }
0x14: {  	s28 =	simm.s32 $0x40;
	s30 =	sor.u32 s29, s30;
	s29 =	simm.s32 $0x0  }
.LBB2_2:
0x15: {  	p0 =	sne.s32 s28, $0xFFC0  }
0x16: {  	[tilespmem:s30+$0x2800] =	vst v0;
	s29 =	sadd.s32 $0x10, s29;
	s30 =	smov.u32 s28;
	s28 =	sadd.s32 $0x40, s28  }
.Ltmp0:
0x17: {  	(pc) =	sbr.rel @p0 .LBB2_2-.Ltmp0, $4  }
0x18: {  	_ = 	snop  }
0x19: {  	s30 =	sand.u32 $0xFE00, s30  }
0x1a: {  	s31 =	sand.u32 $0x70, s29;
	s30 =	sshrl.u32 s30, $0x2  }
0x1b: {  	s30 =	sor.u32 s31, s30  }
0x1c: {  	[tilespmem:s30+$0x2800] =	vst v0  }
0x1d: {  	[spmem:s5] =	stream.linear.scatter [tilespmem:s16], [sflag:$0x3], $0x4000, $0x38;
	[tilespmem:$0x1E800] =	vst v63  }
0x1e: {  	_ =	swait.ge [sflag:s17], $0x4000  }
0x1f: {  	[sflag:s17] =	ssyncset.done $0x0  }
0x20: {  	[sflag:s17] =	ssyncadd.s32 $0xFFFFC000  }
0x21: {  	[spmem:s6] =	stream.linear.scatter [tilespmem:s16], [sflag:$0x3], $0x4000, $0x38;
	[tilespmem:$0x1E800] =	vst v63  }
0x22: {  	_ =	swait.ge [sflag:s17], $0x4000  }
0x23: {  	[sflag:s17] =	ssyncset.done $0x0  }
0x24: {  	[sflag:s17] =	ssyncadd.s32 $0xFFFFC000  }
0x25: {  	[spmem:s7] =	stream.linear.scatter [tilespmem:s16], [sflag:$0x3], $0x4000, $0x38;
	[tilespmem:$0x1E800] =	vst v63  }
0x26: {  	_ =	swait.ge [sflag:s17], $0x4000  }
0x27: {  	[sflag:s17] =	ssyncset.done $0x0  }
0x28: {  	[sflag:s17] =	ssyncadd.s32 $0xFFFFC000  }
0x29: {  	[spmem:s8] =	stream.linear.scatter [tilespmem:s16], [sflag:$0x3], $0x4000, $0x38;
	[tilespmem:$0x1E800] =	vst v63  }
0x2a: {  	_ =	swait.ge [sflag:s17], $0x4000  }
0x2b: {  	[sflag:s17] =	ssyncset.done $0x0  }
0x2c: {  	[sflag:s17] =	ssyncadd.s32 $0xFFFFC000  }
0x2d: {  	[spmem:s9] =	stream.linear.scatter [tilespmem:s16], [sflag:$0x3], $0x4000, $0x38;
	[tilespmem:$0x1E800] =	vst v63  }
0x2e: {  	_ =	swait.ge [sflag:s17], $0x4000  }
0x2f: {  	[sflag:s17] =	ssyncset.done $0x0  }
0x30: {  	[sflag:s17] =	ssyncadd.s32 $0xFFFFC000  }
0x31: {  	s28 =	simm.s32 $0x0;
	[bflag:$0x0] =	sbarrier.arrive $0xFFFF  }
0x32: {  	[tilespmem:s28], [sflag:$0x3] =	stream.linear.gather [hbm4b:s11+s28], $0x1400, $0x38;
	[tilespmem:$0x1E800] =	vst v63  }
0x33: {  	_ =	swait.ge [sflag:s17], $0x1400  }
0x34: {  	[sflag:s17] =	ssyncset.done $0x0  }
0x35: {  	[sflag:s17] =	ssyncadd.s32 $0xFFFFEC00  }
0x36: {  	[tilespmem:s18], [sflag:$0x3] =	stream.linear.gather [hbm4b:s12+s28], $0x1400, $0x38;
	[tilespmem:$0x1E800] =	vst v63  }
0x37: {  	_ =	swait.ge [sflag:s17], $0x1400  }
0x38: {  	[sflag:s17] =	ssyncset.done $0x0  }
0x39: {  	[sflag:s17] =	ssyncadd.s32 $0xFFFFEC00  }
0x3a: {  	[tilespmem:s16], [sflag:$0x1] =	stream.indirect.gather [hbm4b:s4+s19], $0x80, s28, s19, $0xb8;
	[tilespmem:$0x1E800] =	vst v63  }
0x3b: {  	s28 =	simm.s32 $0x80  }
0x3c: {  	[tilespmem:s20], [sflag:$0x2] =	stream.indirect.gather [hbm4b:s4+s19], $0x80, s28, s19, $0xb8;
	[tilespmem:$0x1E800] =	vst v63  }
0x3d: {  	_ =	swait.ge [sflag:s21], $0x4000  }
0x3e: {  	[sflag:s21] =	ssyncset.done $0x0  }
0x3f: {  	s28 =	simm.s32 $0x1400;
	[sflag:s21] =	ssyncadd.s32 $0xFFFFC000  }
0x40: {  	[spmem:s2] =	stream.indirect.scatter.add.f32 [tilespmem:s16], [sflag:$0x3], $0x80, s28, s19, $0xb8;
	[tilespmem:$0x1E800] =	vst v63  }
0x41: {  	_ =	swait.ge [sflag:s17], $0x4000  }
0x42: {  	[sflag:s17] =	ssyncset.done $0x0  }
0x43: {  	s28 =	simm.s32 $0x100;
	[sflag:s17] =	ssyncadd.s32 $0xFFFFC000  }
0x44: {  	[tilespmem:s16], [sflag:$0x1] =	stream.indirect.gather [hbm4b:s4+s19], $0x80, s28, s19, $0xb8;
	[tilespmem:$0x1E800] =	vst v63  }
0x45: {  	_ =	swait.ge [sflag:s22], $0x4000  }
0x46: {  	[sflag:s22] =	ssyncset.done $0x0  }
0x47: {  	s28 =	simm.s32 $0x1480;
	[sflag:s22] =	ssyncadd.s32 $0xFFFFC000  }
0x48: {  	[spmem:s2] =	stream.indirect.scatter.add.f32 [tilespmem:s20], [sflag:$0x3], $0x80, s28, s19, $0xb8;
	[tilespmem:$0x1E800] =	vst v63  }
0x49: {  	_ =	swait.ge [sflag:s17], $0x4000  }
0x4a: {  	s29 =	simm.s32 $0x800;
	s28 =	simm.s32 $0x100;
	[sflag:s17] =	ssyncset.done $0x0  }
.LBB2_4:
0x4b: {  	s30 =	sadd.s32 $0x80, s28  }
0x4c: {  	[sflag:s17] =	ssyncadd.s32 $0xFFFFC000;
	s31 =	smov.u32 s29;
	s0 =	sadd.s32 $0x400, s29  }
0x4d: {  	[tilespmem:s20], [sflag:$0x2] =	stream.indirect.gather [hbm4b:s4+s19], $0x80, s30, s19, $0xb8;
	[tilespmem:$0x1E800] =	vst v63  }
0x4e: {  	p0 =	sne.s32 s29, $0x4800;
	_ =	swait.ge [sflag:s21], $0x4000  }
0x4f: {  	[sflag:s21] =	ssyncset.done $0x0  }
0x50: {  	s29 =	sadd.s32 $0x1400, s28;
	[sflag:s21] =	ssyncadd.s32 $0xFFFFC000  }
0x51: {  	[spmem:s2] =	stream.indirect.scatter.add.f32 [tilespmem:s16], [sflag:$0x3], $0x80, s29, s19, $0xb8;
	[tilespmem:$0x1E800] =	vst v63  }
0x52: {  	_ =	swait.ge [sflag:s17], $0x4000  }
0x53: {  	[sflag:s17] =	ssyncset.done $0x0  }
0x54: {  	s29 =	sadd.s32 $0x100, s28;
	[sflag:s17] =	ssyncadd.s32 $0xFFFFC000  }
0x55: {  	[tilespmem:s16], [sflag:$0x1] =	stream.indirect.gather [hbm4b:s4+s19], $0x80, s29, s19, $0xb8;
	[tilespmem:$0x1E800] =	vst v63  }
0x56: {  	_ =	swait.ge [sflag:s22], $0x4000  }
.Ltmp1:
0x57: {  	[sflag:s22] =	ssyncset.done $0x0;
	(pc) =	sbr.rel @p0 .LBB2_4-.Ltmp1, $4  }
0x58: {  	s28 =	sadd.s32 $0x1480, s28;
	[sflag:s22] =	ssyncadd.s32 $0xFFFFC000  }
0x59: {  	[spmem:s2] =	stream.indirect.scatter.add.f32 [tilespmem:s20], [sflag:$0x3], $0x80, s28, s19, $0xb8;
	[tilespmem:$0x1E800] =	vst v63  }
0x5a: {  	_ =	swait.ge [sflag:s17], $0x4000  }
0x5b: {  	s29 =	smov.u32 s0;
	s28 =	sshra.s32 s31, $0x2;
	[sflag:s17] =	ssyncset.done $0x0  }
0x5c: {  	s0 =	sadd.s32 $0x80, s28;
	[sflag:s17] =	ssyncadd.s32 $0xFFFFC000  }
0x5d: {  	[tilespmem:s20], [sflag:$0x2] =	stream.indirect.gather [hbm4b:s4+s19], $0x80, s0, s19, $0xb8;
	[tilespmem:$0x1E800] =	vst v63  }
0x5e: {  	_ =	swait.ge [sflag:s21], $0x4000  }
0x5f: {  	[sflag:s21] =	ssyncset.done $0x0  }
0x60: {  	s30 =	sadd.s32 $0x1400, s28;
	[sflag:s21] =	ssyncadd.s32 $0xFFFFC000  }
0x61: {  	[spmem:s2] =	stream.indirect.scatter.add.f32 [tilespmem:s16], [sflag:$0x3], $0x80, s30, s19, $0xb8;
	[tilespmem:$0x1E800] =	vst v63  }
0x62: {  	_ =	swait.ge [sflag:s17], $0x4000  }
0x63: {  	[sflag:s17] =	ssyncset.done $0x0  }
0x64: {  	s31 =	sadd.s32 $0x100, s28;
	[sflag:s17] =	ssyncadd.s32 $0xFFFFC000  }
0x65: {  	[tilespmem:s16], [sflag:$0x1] =	stream.indirect.gather [hbm4b:s4+s19], $0x80, s31, s19, $0xb8;
	[tilespmem:$0x1E800] =	vst v63  }
0x66: {  	_ =	swait.ge [sflag:s22], $0x4000  }
0x67: {  	[sflag:s22] =	ssyncset.done $0x0  }
0x68: {  	s30 =	sadd.s32 $0x1480, s28;
	[sflag:s22] =	ssyncadd.s32 $0xFFFFC000  }
0x69: {  	[spmem:s2] =	stream.indirect.scatter.add.f32 [tilespmem:s20], [sflag:$0x3], $0x80, s30, s19, $0xb8;
	[tilespmem:$0x1E800] =	vst v63  }
0x6a: {  	_ =	swait.ge [sflag:s17], $0x4000  }
0x6b: {  	[sflag:s17] =	ssyncset.done $0x0  }
0x6c: {  	[sflag:s17] =	ssyncadd.s32 $0xFFFFC000  }
0x6d: {  	[tilespmem:s20], [sflag:$0x2] =	stream.indirect.gather [hbm4b:s4+s19], $0x80, s23, s19, $0xb8;
	[tilespmem:$0x1E800] =	vst v63  }
0x6e: {  	_ =	swait.ge [sflag:s21], $0x4000  }
0x6f: {  	[sflag:s21] =	ssyncset.done $0x0  }
0x70: {  	[sflag:s21] =	ssyncadd.s32 $0xFFFFC000  }
0x71: {  	[spmem:s2] =	stream.indirect.scatter.add.f32 [tilespmem:s16], [sflag:$0x3], $0x80, s24, s19, $0xb8;
	[tilespmem:$0x1E800] =	vst v63  }
0x72: {  	_ =	swait.ge [sflag:s17], $0x4000  }
0x73: {  	[sflag:s17] =	ssyncset.done $0x0  }
0x74: {  	[sflag:s17] =	ssyncadd.s32 $0xFFFFC000  }
0x75: {  	_ =	swait.ge [sflag:s22], $0x4000  }
0x76: {  	[sflag:s22] =	ssyncset.done $0x0  }
0x77: {  	[sflag:s22] =	ssyncadd.s32 $0xFFFFC000  }
0x78: {  	[spmem:s2] =	stream.indirect.scatter.add.f32 [tilespmem:s20], [sflag:$0x3], $0x80, s25, s19, $0xb8;
	[tilespmem:$0x1E800] =	vst v63  }
0x79: {  	_ =	swait.ge [sflag:s17], $0x4000  }
0x7a: {  	[sflag:s17] =	ssyncset.done $0x0  }
0x7b: {  	s31 =	simm.s32 $0x0;
	[sflag:s17] =	ssyncadd.s32 $0xFFFFC000  }
0x7c: {  	[tilespmem:s31], [sflag:$0x3] =	stream.linear.gather [hbm4b:s13+s31], $0x1400, $0x38;
	[tilespmem:$0x1E800] =	vst v63  }
0x7d: {  	_ =	swait.ge [sflag:s17], $0x1400  }
0x7e: {  	[sflag:s17] =	ssyncset.done $0x0  }
0x7f: {  	[sflag:s17] =	ssyncadd.s32 $0xFFFFEC00  }
0x80: {  	[tilespmem:s18], [sflag:$0x3] =	stream.linear.gather [hbm4b:s14+s31], $0x1400, $0x38;
	[tilespmem:$0x1E800] =	vst v63  }
0x81: {  	_ =	swait.ge [sflag:s17], $0x1400  }
0x82: {  	[sflag:s17] =	ssyncset.done $0x0  }
0x83: {  	[sflag:s17] =	ssyncadd.s32 $0xFFFFEC00  }
0x84: {  	[tilespmem:s16], [sflag:$0x1] =	stream.indirect.gather [hbm4b:s4+s19], $0x80, s31, s19, $0xb8;
	[tilespmem:$0x1E800] =	vst v63  }
0x85: {  	s30 =	simm.s32 $0x80  }
0x86: {  	[tilespmem:s20], [sflag:$0x2] =	stream.indirect.gather [hbm4b:s4+s19], $0x80, s30, s19, $0xb8;
	[tilespmem:$0x1E800] =	vst v63  }
0x87: {  	_ =	swait.ge [sflag:s21], $0x4000  }
0x88: {  	[sflag:s21] =	ssyncset.done $0x0  }
0x89: {  	s31 =	simm.s32 $0x1400;
	[sflag:s21] =	ssyncadd.s32 $0xFFFFC000  }
0x8a: {  	[spmem:s2] =	stream.indirect.scatter.add.f32 [tilespmem:s16], [sflag:$0x3], $0x80, s31, s19, $0xb8;
	[tilespmem:$0x1E800] =	vst v63  }
0x8b: {  	_ =	swait.ge [sflag:s17], $0x4000  }
0x8c: {  	[sflag:s17] =	ssyncset.done $0x0  }
0x8d: {  	s30 =	simm.s32 $0x100;
	[sflag:s17] =	ssyncadd.s32 $0xFFFFC000  }
0x8e: {  	[tilespmem:s16], [sflag:$0x1] =	stream.indirect.gather [hbm4b:s4+s19], $0x80, s30, s19, $0xb8;
	[tilespmem:$0x1E800] =	vst v63  }
0x8f: {  	_ =	swait.ge [sflag:s22], $0x4000  }
0x90: {  	[sflag:s22] =	ssyncset.done $0x0  }
0x91: {  	s31 =	simm.s32 $0x1480;
	[sflag:s22] =	ssyncadd.s32 $0xFFFFC000  }
0x92: {  	[spmem:s2] =	stream.indirect.scatter.add.f32 [tilespmem:s20], [sflag:$0x3], $0x80, s31, s19, $0xb8;
	[tilespmem:$0x1E800] =	vst v63  }
0x93: {  	_ =	swait.ge [sflag:s17], $0x4000  }
0x94: {  	s29 =	simm.s32 $0x800;
	s28 =	simm.s32 $0x100;
	[sflag:s17] =	ssyncset.done $0x0  }
.LBB2_6:
0x95: {  	s0 =	sadd.s32 $0x80, s28  }
0x96: {  	[sflag:s17] =	ssyncadd.s32 $0xFFFFC000;
	s30 =	smov.u32 s29;
	s31 =	sadd.s32 $0x400, s29  }
0x97: {  	[tilespmem:s20], [sflag:$0x2] =	stream.indirect.gather [hbm4b:s4+s19], $0x80, s0, s19, $0xb8;
	[tilespmem:$0x1E800] =	vst v63  }
0x98: {  	p0 =	sne.s32 s29, $0x4800;
	_ =	swait.ge [sflag:s21], $0x4000  }
0x99: {  	[sflag:s21] =	ssyncset.done $0x0  }
0x9a: {  	s0 =	sadd.s32 $0x1400, s28;
	[sflag:s21] =	ssyncadd.s32 $0xFFFFC000  }
0x9b: {  	[spmem:s2] =	stream.indirect.scatter.add.f32 [tilespmem:s16], [sflag:$0x3], $0x80, s0, s19, $0xb8;
	[tilespmem:$0x1E800] =	vst v63  }
0x9c: {  	_ =	swait.ge [sflag:s17], $0x4000  }
0x9d: {  	[sflag:s17] =	ssyncset.done $0x0  }
0x9e: {  	s0 =	sadd.s32 $0x100, s28;
	[sflag:s17] =	ssyncadd.s32 $0xFFFFC000  }
0x9f: {  	[tilespmem:s16], [sflag:$0x1] =	stream.indirect.gather [hbm4b:s4+s19], $0x80, s0, s19, $0xb8;
	[tilespmem:$0x1E800] =	vst v63  }
0xa0: {  	_ =	swait.ge [sflag:s22], $0x4000  }
.Ltmp2:
0xa1: {  	[sflag:s22] =	ssyncset.done $0x0;
	(pc) =	sbr.rel @p0 .LBB2_6-.Ltmp2, $4  }
0xa2: {  	s0 =	sadd.s32 $0x1480, s28;
	[sflag:s22] =	ssyncadd.s32 $0xFFFFC000  }
0xa3: {  	[spmem:s2] =	stream.indirect.scatter.add.f32 [tilespmem:s20], [sflag:$0x3], $0x80, s0, s19, $0xb8;
	[tilespmem:$0x1E800] =	vst v63  }
0xa4: {  	_ =	swait.ge [sflag:s17], $0x4000  }
0xa5: {  	s29 =	smov.u32 s31;
	s28 =	sshra.s32 s30, $0x2;
	[sflag:s17] =	ssyncset.done $0x0  }
0xa6: {  	s0 =	sadd.s32 $0x80, s28;
	[sflag:s17] =	ssyncadd.s32 $0xFFFFC000  }
0xa7: {  	[tilespmem:s20], [sflag:$0x2] =	stream.indirect.gather [hbm4b:s4+s19], $0x80, s0, s19, $0xb8;
	[tilespmem:$0x1E800] =	vst v63  }
0xa8: {  	_ =	swait.ge [sflag:s21], $0x4000  }
0xa9: {  	[sflag:s21] =	ssyncset.done $0x0  }
0xaa: {  	s30 =	sadd.s32 $0x1400, s28;
	[sflag:s21] =	ssyncadd.s32 $0xFFFFC000  }
0xab: {  	[spmem:s2] =	stream.indirect.scatter.add.f32 [tilespmem:s16], [sflag:$0x3], $0x80, s30, s19, $0xb8;
	[tilespmem:$0x1E800] =	vst v63  }
0xac: {  	_ =	swait.ge [sflag:s17], $0x4000  }
0xad: {  	[sflag:s17] =	ssyncset.done $0x0  }
0xae: {  	s31 =	sadd.s32 $0x100, s28;
	[sflag:s17] =	ssyncadd.s32 $0xFFFFC000  }
0xaf: {  	[tilespmem:s16], [sflag:$0x1] =	stream.indirect.gather [hbm4b:s4+s19], $0x80, s31, s19, $0xb8;
	[tilespmem:$0x1E800] =	vst v63  }
0xb0: {  	_ =	swait.ge [sflag:s22], $0x4000  }
0xb1: {  	[sflag:s22] =	ssyncset.done $0x0  }
0xb2: {  	s29 =	sadd.s32 $0x1480, s28;
	[sflag:s22] =	ssyncadd.s32 $0xFFFFC000  }
0xb3: {  	[spmem:s2] =	stream.indirect.scatter.add.f32 [tilespmem:s20], [sflag:$0x3], $0x80, s29, s19, $0xb8;
	[tilespmem:$0x1E800] =	vst v63  }
0xb4: {  	_ =	swait.ge [sflag:s17], $0x4000  }
0xb5: {  	[sflag:s17] =	ssyncset.done $0x0  }
0xb6: {  	[sflag:s17] =	ssyncadd.s32 $0xFFFFC000  }
0xb7: {  	[tilespmem:s20], [sflag:$0x2] =	stream.indirect.gather [hbm4b:s4+s19], $0x80, s23, s19, $0xb8;
	[tilespmem:$0x1E800] =	vst v63  }
0xb8: {  	_ =	swait.ge [sflag:s21], $0x4000  }
0xb9: {  	[sflag:s21] =	ssyncset.done $0x0  }
0xba: {  	[sflag:s21] =	ssyncadd.s32 $0xFFFFC000  }
0xbb: {  	[spmem:s2] =	stream.indirect.scatter.add.f32 [tilespmem:s16], [sflag:$0x3], $0x80, s24, s19, $0xb8;
	[tilespmem:$0x1E800] =	vst v63  }
0xbc: {  	_ =	swait.ge [sflag:s17], $0x4000  }
0xbd: {  	[sflag:s17] =	ssyncset.done $0x0  }
0xbe: {  	[sflag:s17] =	ssyncadd.s32 $0xFFFFC000  }
0xbf: {  	_ =	swait.ge [sflag:s22], $0x4000  }
0xc0: {  	[sflag:s22] =	ssyncset.done $0x0  }
0xc1: {  	[sflag:s22] =	ssyncadd.s32 $0xFFFFC000  }
0xc2: {  	[spmem:s2] =	stream.indirect.scatter.add.f32 [tilespmem:s20], [sflag:$0x3], $0x80, s25, s19, $0xb8;
	[tilespmem:$0x1E800] =	vst v63  }
0xc3: {  	_ =	swait.ge [sflag:s17], $0x4000  }
0xc4: {  	s26 =	sadd.s32 $0x1, s26;
	s30 =	sshll.u32 s1, $0x6;
	[sflag:s17] =	ssyncset.done $0x0  }
0xc5: {  	p0 =	sne.s32 s26, s10;
	s0 =	sor.u32 $0x1C03, s30;
	[sflag:s17] =	ssyncadd.s32 $0xFFFFC000  }
.Ltmp3:
0xc6: {  	s31 =	sshrl.u32 s5, $0x3;
	[bflag:$0x0] =	sbarrier.arrive $0xFFFF;
	(pc) =	sbr.rel @p0 .LBB2_1-.Ltmp3, $4  }
0xc7: {  	[hbm:s15], [sflag:s0] =	dma.local [spmem:s31], $0x2800  }
0xc8: {  	_ =	swait.ge [sflag:s17], $0x2800  }
0xc9: {  	[sflag:s17] =	ssyncset.done $0x0  }
0xca: {  	[sflag:s17] =	ssyncadd.s32 $0xFFFFD800  }
0xcb: {  	_ =	sfence.sel $0x180000  }
0xcc: {  	[bflag:$0x0] =	sbarrier.arrive $0xFFFF  }
0xcd: {  	_ =	strace $0x9000004D  }
0xce: {  	[bflag:$0x2] =	sbarrier.arrive $0xFFFF  }
0xcf: {  	p0 =	sne.s32 s1, $0x0;
	s0 =	rddreg [dreg:$0x3]  }
0xd0: {  	s0 =	sadd.s32 @!p0 $0x100000, s0  }
0xd1: {  	[sflag:s0] =	ssyncadd.tile.s32 @!p0 $0x1;
	_ =	shalt  }
.Lfunc_end2:
_tile_overlayer_lowered:
.L_overlay_start_2:
0xd2: {  	(tag) =	ssettag $0x2  }
0xd3: {  	s0 =	rddreg [dreg:$0x0];
	s2 =	stileid.u32  }
0xd4: {  	s1 =	rddreg [dreg:$0x1];
	p0 =	sne.s32 s2, $0x0  }
0xd5: {  	s3 =	rddreg [dreg:$0x2];
	[bflag:$0x3] =	sbarrier.arrive $0xFFFF;
	s2 =	simm.s32 @!p0 $0x1C03  }
0xd6: {  	[timem:s3], [sflag:s2] =	dma.local @!p0 [hbm:s0], s1  }
0xd7: {  	s0 =	simm.s32 @!p0 $0x3  }
0xd8: {  	_ =	swait.ge @!p0 [sflag:s0], s1  }
0xd9: {  	s1 =	ssub.s32 @!p0 $0x0, s1;
	[sflag:s0] =	ssyncset.done @!p0 $0x0  }
0xda: {  	[sflag:s0] =	ssyncadd.s32 @!p0 s1  }
0xdb: {  	[bflag:$0x3] =	sbarrier.arrive $0xFFFF  }
0xdc: {  	_ =	shalt  }

// kernel: kernel.8.cloned.1.call-start
scs
__scs_entry_jumppad:
0x0: {  	(pc) =	sbr.rel $0x88, $3  }
0x1: {  	(tag) =	ssettag $0x0;
	lr =	simm.s32 $0x1  }
0x2: {  	[smem:$0x3F99] =	sst lr;
	_ =	strace $0xD0000000  }
0x3: {  	_ = 	snop  }
0x4: {  	_ = 	snop  }
0x5: {  	_ = 	snop  }
0x6: {  	_ = 	snop  }
0x7: {  	_ = 	snop  }
__scs_overlays_trampoline_lowered:
0x8: {  	[smem:$0x3FA8] =	sst s0  }
0x9: {  	[smem:$0x3FA9] =	sst s1  }
0xa: {  	[smem:$0x3FAA] =	sst s2  }
0xb: {  	[smem:$0x3FAB] =	sst s3  }
0xc: {  	[smem:$0x3FAC] =	sst s4  }
0xd: {  	[smem:$0x3FAD] =	sst s5  }
0xe: {  	[smem:$0x3FAE] =	sst s6  }
0xf: {  	[smem:$0x3FAF] =	sst s7  }
0x10: {  	[smem:$0x3FB0] =	sst s8  }
0x11: {  	[smem:$0x3FB1] =	sst s9;
	s0 =	simm.s32 @!p0 $0x0  }
0x12: {  	s1 =	sld [smem:$0x3F97];
	s0 =	simm.s32 @p0 $0x1  }
0x13: {  	[smem:$0x3FB2] =	sst s0;
	s0 =	simm.s32 @!p1 $0x0  }
0x14: {  	s2 =	sld [smem:$0x3F96];
	s0 =	simm.s32 @p1 $0x1  }
0x15: {  	[smem:$0x3FB3] =	sst s0;
	s0 =	simm.s32 @!p2 $0x0  }
0x16: {  	s3 =	sld [smem:$0x3FDB];
	s0 =	simm.s32 @p2 $0x1  }
0x17: {  	s4 =	simm.s32 $0x1BF5;
	[smem:$0x3FB5] =	sst s0  }
0x18: {  	s0 =	sld [smem:$0x3F98];
	_ =	swait.ge [sflag:s4], $0x0  }
0x19: {  	s7 =	sld [smem:$0x3F99]  }
0x1a: {  	s8 =	sadd.s32 $0xFFFFE003, lr  }
0x1b: {  	s9 =	sadd.s32 $0xFFFFFEF7, lr;
	s5 =	simm.s32 $0xFFFFFFFF;
	p2 =	slt.u32 s8, $0xFFFFF086  }
0x1c: {  	p1 =	slt.u32 s9, $0xF7A;
	s5 =	simm.s32 @!p2 $0x0  }
0x1d: {  	s5 =	simm.s32 @p1 $0x1;
	p0 =	seq.s32 s7, s2  }
0x1e: {  	s7 =	smul.u32 @!p0 $0xF7A, s2;
	p2 =	seq.s32 @!p0 s5, $0x0  }
0x1f: {  	s9 =	smul.u32 $0xF7A, s1;
	s8 =	simm.s32 @!p0 $0x1BF5;
	p2 =	por !p2, p0  }
0x20: {  	[sflag:s8] =	ssyncset.s32 @!p0 $0xFFFFF086;
	s6 =	sadd.s32 @!p0 s3, s7;
	s7 =	simm.s32 @!p0 $0x108  }
0x21: {  	s3 =	sadd.s32 s3, s9;
	s6 =	sadd.s32 @!p0 $0x88, s6;
	s7 =	simm.s32 @p2 $0x1082  }
0x22: {  	[simem:s7], [sflag:s8] =	dma.local @!p0 [hbm:s6], $0xF7A  }
0x23: {  	s9 =	sor.u32 $0xD0000000, s2;
	s6 =	simm.s32 $0x108;
	_ =	swait.ge @!p0 [sflag:s8], $0x0  }
0x24: {  	s3 =	sadd.s32 $0x88, s3;
	s6 =	simm.s32 @!p1 $0x1082;
	[sflag:s4] =	ssyncset.s32 $0xFFFFF086  }
0x25: {  	[simem:s6], [sflag:s4] =	dma.local [hbm:s3], $0xF7A  }
0x26: {  	[smem:$0x3F99] =	sst s1;
	(tag) =	ssettag s2;
	_ =	strace s9  }
0x27: {  	s1 =	sld [smem:$0x3FA9]  }
0x28: {  	s2 =	sld [smem:$0x3FAA]  }
0x29: {  	s4 =	sld [smem:$0x3FAC]  }
0x2a: {  	p0 =	seq.s32 s5, $0x0;
	s5 =	sld [smem:$0x3FAD]  }
0x2b: {  	s6 =	sld [smem:$0x3FAE]  }
0x2c: {  	s7 =	sld [smem:$0x3FAF]  }
0x2d: {  	s3 =	simm.s32 $0x108;
	s8 =	sld [smem:$0x3FB0]  }
0x2e: {  	s3 =	simm.s32 @!p0 $0x1082;
	s9 =	sld [smem:$0x3FB1]  }
0x2f: {  	lr =	sadd.s32 s0, s3;
	s0 =	sld [smem:$0x3FA8]  }
0x30: {  	s3 =	sld [smem:$0x3FAB]  }
0x31: {  	[smem:$0x3FB4] =	sst s10  }
0x32: {  	s10 =	sld [smem:$0x3FB2];
	_ =	sdelay $0x3  }
0x33: {  	p0 =	seq.s32 s10, $0x1;
	s10 =	sld [smem:$0x3FB4];
	_ =	sdelay $0x3  }
0x34: {  	[smem:$0x3FB4] =	sst s10  }
0x35: {  	s10 =	sld [smem:$0x3FB3];
	_ =	sdelay $0x3  }
0x36: {  	p1 =	seq.s32 s10, $0x1;
	s10 =	sld [smem:$0x3FB4];
	_ =	sdelay $0x3  }
0x37: {  	[smem:$0x3FB4] =	sst s10  }
0x38: {  	s10 =	sld [smem:$0x3FB5]  }
0x39: {  	_ = 	snop;
	(pc) =	sbr.ind lr, $3  }
0x3a: {  	_ = 	snop  }
0x3b: {  	_ = 	snop  }
0x3c: {  	p2 =	seq.s32 s10, $0x1;
	s10 =	sld [smem:$0x3FB4]  }
0x3d: {  	_ =	shalt  }
0x3e: {  	_ =	shalt  }
0x3f: {  	_ =	shalt  }
0x40: {  	_ =	shalt  }
0x41: {  	_ =	shalt  }
0x42: {  	_ =	shalt  }
0x43: {  	_ =	shalt  }
0x44: {  	_ =	shalt  }
0x45: {  	_ =	shalt  }
0x46: {  	_ =	shalt  }
0x47: {  	_ =	shalt  }
0x48: {  	_ =	shalt  }
0x49: {  	_ =	shalt  }
0x4a: {  	_ =	shalt  }
0x4b: {  	_ =	shalt  }
0x4c: {  	_ =	shalt  }
0x4d: {  	_ =	shalt  }
0x4e: {  	_ =	shalt  }
0x4f: {  	_ =	shalt  }
0x50: {  	_ =	shalt  }
0x51: {  	_ =	shalt  }
0x52: {  	_ =	shalt  }
0x53: {  	_ =	shalt  }
0x54: {  	_ =	shalt  }
0x55: {  	_ =	shalt  }
0x56: {  	_ =	shalt  }
0x57: {  	_ =	shalt  }
0x58: {  	_ =	shalt  }
0x59: {  	_ =	shalt  }
0x5a: {  	_ =	shalt  }
0x5b: {  	_ =	shalt  }
0x5c: {  	_ =	shalt  }
0x5d: {  	_ =	shalt  }
0x5e: {  	_ =	shalt  }
0x5f: {  	_ =	shalt  }
0x60: {  	_ =	shalt  }
0x61: {  	_ =	shalt  }
0x62: {  	_ =	shalt  }
0x63: {  	_ =	shalt  }
0x64: {  	_ =	shalt  }
0x65: {  	_ =	shalt  }
0x66: {  	_ =	shalt  }
0x67: {  	_ =	shalt  }
0x68: {  	_ =	shalt  }
0x69: {  	_ =	shalt  }
0x6a: {  	_ =	shalt  }
0x6b: {  	_ =	shalt  }
0x6c: {  	_ =	shalt  }
0x6d: {  	_ =	shalt  }
0x6e: {  	_ =	shalt  }
0x6f: {  	_ =	shalt  }
0x70: {  	_ =	shalt  }
0x71: {  	_ =	shalt  }
0x72: {  	_ =	shalt  }
0x73: {  	_ =	shalt  }
0x74: {  	_ =	shalt  }
0x75: {  	_ =	shalt  }
0x76: {  	_ =	shalt  }
0x77: {  	_ =	shalt  }
0x78: {  	_ =	shalt  }
0x79: {  	_ =	shalt  }
0x7a: {  	_ =	shalt  }
0x7b: {  	_ =	shalt  }
0x7c: {  	_ =	shalt  }
0x7d: {  	_ =	shalt  }
0x7e: {  	_ =	shalt  }
0x7f: {  	_ =	shalt  }
0x80: {  	_ =	shalt  }
0x81: {  	_ =	shalt  }
0x82: {  	_ =	shalt  }
0x83: {  	_ =	shalt  }
0x84: {  	_ =	shalt  }
0x85: {  	_ =	shalt  }
0x86: {  	_ =	shalt  }
0x87: {  	_ =	shalt  }
.Lfunc_end0:
.L_simem_size_0:
called_computation_lowered:
.L_overlay_start_0:
0x88: {  	s2 =	sld [smem:$0x3FD9]  }
0x89: {  	s3 =	sld [smem:$0x3FFE];
	_ =	sdelay $0x1  }
0x8a: {  	s1 =	srdreg.scid  }
0x8b: {  	s0 =	sand.u32 $0x1, s1  }
0x8c: {  	s16 =	sshll.u32 s0, $0xA;
	s2 =	sadd.s32 s3, s2  }
0x8d: {  	s2 =	sadd.s32 s2, s16  }
0x8e: {  	[smem:$0x3FC0] =	sst s2  }
0x8f: {  	_ = 	snop  }
0x90: {  	(tm) =	ssettm $0x1  }
0x91: {  	s17 =	sld [smem:$0x3FFB];
	_ =	sdelay $0x3  }
0x92: {  	_ =	strace s17  }
0x93: {  	s2 =	sld [smem:$0x3FFC];
	_ =	sdelay $0x3  }
0x94: {  	_ =	strace s2  }
0x95: {  	s2 =	sld [smem:$0x3FFD];
	_ =	sdelay $0x3  }
0x96: {  	_ =	strace s2  }
0x97: {  	_ =	strace $0x8FFFFFFF  }
0x98: {  	s18 =	sld [smem:$0x3FDB];
	_ =	sdelay $0x1  }
0x99: {  	s19 =	simm.s32 $_scs_section_size  }
0x9a: {  	s4 =	simm.s32 $_size__tile_overlayer_lowered;
	s5 =	simm.s32 $_tile_overlayer_lowered  }
0x9b: {  	s22 =	simm.s32 $0x1BFF;
	s21 =	sshll.u32 s5, $0x1;
	s2 =	sadd.s32 s19, s18  }
0x9c: {  	s6 =	simm.s32 $0x0;
	s20 =	sshll.u32 s4, $0x1;
	s4 =	sadd.s32 s21, s2  }
0x9d: {  	[timem:s6], [sflag:s22] =	dma.local [hbm:s4], s20  }
0x9e: {  	_ =	swait.ge [sflag:s22], s20  }
0x9f: {  	s3 =	ssub.s32 $0x0, s20;
	[sflag:s22] =	ssyncset.done $0x0  }
0xa0: {  	[sflag:s22] =	ssyncadd.s32 s3;
	_ =	sdelay $0x1  }
0xa1: {  	s23 =	simm.s32 $0x1B8B  }
0xa2: {  	_ =	swait.ge [sflag:s23], $0x1  }
0xa3: {  	[sflag:s23] =	ssyncset.done $0x0  }
0xa4: {  	s25 =	simm.s32 $0x1B8E;
	s24 =	sld [smem:$0x3FFE];
	[sflag:s23] =	ssyncadd.s32 $0xFFFFFFFF  }
0xa5: {  	s26 =	simm.s32 $execute0_lowered;
	[smem:$0x3FD2] =	sst s25  }
0xa6: {  	s4 =	sshll.u32 s26, $0x1;
	_ =	strace $0x80000046;
	[dreg:$0x1] =	wrdreg $0xFFFFFFFF  }
0xa7: {  	s28 =	simm.s32 $_size_execute0_lowered;
	s2 =	sadd.s32 s2, s4;
	[dreg:$0x0] =	wrdreg $0x0  }
0xa8: {  	s4 =	sshll.u32 s28, $0x1;
	[dreg:$0x2] =	wrdreg s2  }
0xa9: {  	[dreg:$0x3] =	wrdreg s4  }
0xaa: {  	[dreg:$0x4] =	wrdreg $0xC0  }
0xab: {  	_ =	task [dreg:s6], $0x5FFFF  }
0xac: {  	[dreg:$0x1] =	wrdreg $0xFFFFFFFF  }
0xad: {  	[dreg:$0x0] =	wrdreg $0x60  }
0xae: {  	[dreg:$0x2] =	wrdreg s24  }
0xaf: {  	[dreg:$0x3] =	wrdreg $0x9  }
0xb0: {  	_ =	task.clear_ibuf [dreg:s6], $0x4FFFF;
	_ =	strace $0x90000046  }
0xb1: {  	s29 =	simm.s32 $0x9;
	_ =	strace $0x80000048  }
0xb2: {  	_ =	swait.ge [sflag:s29], $0x1  }
0xb3: {  	[sflag:s29] =	ssyncadd.s32 $0xFFFFFFFF  }
0xb4: {  	_ =	strace $0x90000048  }
0xb5: {  	_ =	sfence  }
0xb6: {  	s30 =	sld [smem:$0x0];
	_ =	sdelay $0x2  }
0xb7: {  	s31 =	sshll.u32 s1, $0xD;
	s1 =	sshrl.u32 s1, $0x2  }
0xb8: {  	s3 =	sand.u32 $0x4000, s31;
	s1 =	sadd.s32 s1, s30  }
0xb9: {  	s0 =	sor.u32 s3, s0;
	s1 =	sshll.u32 s1, $0x11  }
0xba: {  	s0 =	sor.u32 s1, s0  }
0xbb: {  	s0 =	sadd.s32 $0x8F2B, s0  }
0xbc: {  	[sflag:s0] =	ssyncadd.remote.s32 $0x1  }
0xbd: {  	_ =	sfence.sel $0xFFFF  }
0xbe: {  	[dreg:$0x0] =	wrdreg $0xFFFFFFFF;
	(pc) =	sbr.abs _section_cstart, $3  }
0xbf: {  	[dreg:$0x1] =	wrdreg $0xFFFFFFFF  }
0xc0: {  	_ =	task.clear_ibuf [dreg:s6], $0x2FFFF;
	_ =	strace $0x9FFFFFFF  }
0xc1: {  	(tm) =	ssettm $0x7FFFFFFF  }
tec
execute0_lowered:
.L_overlay_start_1:
0x0: {  	(tag) =	ssettag $0x1  }
0x1: {  	s0 =	srdreg.scid  }
0x2: {  	s5 =	rddreg [dreg:$0x0];
	s3 =	sand.u32 $0x1, s0  }
0x3: {  	s2 =	simm.s32 $0x0;
	s0 =	stileid.u32;
	s1 =	sshll.u32 s3, $0x4  }
0x4: {  	s8 =	simm.s32 $0x80;
	s9 =	simm.s32 $0x400;
	s4 =	sor.u32 s0, s1  }
0x5: {  	s10 =	simm.s32 $0x0;
	[smem:$0x7FF] =	sst s2;
	s1 =	sshrl.u32 s4, $0x3  }
0x6: {  	s7 =	sshll.u32 s0, $0x7;
	s3 =	ssub.s32 $0x2, s3;
	s6 =	smul.u32 $0x14000, s1  }
0x7: {  	s7 =	sand.u32 $0x380, s7;
	s31 =	sshrl.u32 s3, $0x1;
	s4 =	smul.u32 $0x500, s4  }
0x8: {  	s1 =	rddreg [dreg:$0x1];
	_ =	strace $0x80000047;
	s6 =	sor.u32 s7, s6  }
0x9: {  	s4 =	sadd.s32 s4, s5;
	s7 =	simm.s32 $0x1;
	s6 =	sshrl.u32 s6, $0x3  }
0xa: {  	s5 =	sadd.s32 s6, s5;
	s6 =	ssub.s32 s3, s31;
	s3 =	sadd.s32 $0x3E00, s4  }
0xb: {  	v0 =	vimm.f32 $0.0e+00;
	v1 =	vimm.f32 $1.000000000e+00;
	s4 =	sadd.s32 $0xDE00, s5;
	s5 =	smax.u32 s6, $0x1;
	s6 =	simm.s32 $0x2800  }
.LBB2_1:
0xc: {  	s11 =	simm.s32 $0x40;
	s12 =	simm.s32 $0x0  }
.LBB2_2:
0xd: {  	p0 =	sne.s32 s11, $0x9FC0;
	[tilespmem:s12+$0x0] =	vst v0;
	s12 =	smov.u32 s11;
	s11 =	sadd.s32 $0x40, s11  }
.Ltmp0:
0xe: {  	(pc) =	sbr.rel @p0 .LBB2_2-.Ltmp0, $2  }
0xf: {  	_ =	sdelay $0x2  }
0x10: {  	s12 =	sshra.s32 s12, $0x2  }
0x11: {  	[tilespmem:s12+$0x0] =	vst v0;
	s11 =	simm.s32 $0x0  }
0x12: {  	[tilespmem:s6], [sflag:$0x1] =	stream.linear.gather [hbm4b:s3+s11], $0x2800, $0x38;
	[tilespmem:$0x5000] =	vst v63  }
0x13: {  	_ =	swait.ge [sflag:s7], $0x2800  }
0x14: {  	[sflag:s7] =	ssyncset.done $0x0  }
0x15: {  	s12 =	simm.s32 $0x0;
	s11 =	simm.s32 $0x40;
	[sflag:s7] =	ssyncadd.s32 $0xFFFFD800  }
.LBB2_4:
0x16: {  	p0 =	sne.s32 s11, $0x9FC0;
	v2 =	vld [tilespmem:s12+$0x2800];
	_ =	sdelay $0x3  }
.Ltmp1:
0x17: {  	(pc) =	sbr.rel @p0 .LBB2_4-.Ltmp1, $2  }
0x18: {  	_ =	sdelay $0x2  }
0x19: {  	s12 =	sshra.s32 s11, $0x2;
	s11 =	sadd.s32 $0x40, s11;
	[tilespmem:v2+s2+$0x0] =	vst.idx.add.f32.msk $0xffff, v1  }
0x1a: {  	v2 =	vld [tilespmem:s12+$0x2800];
	_ =	sdelay $0x5  }
0x1b: {  	s10 =	sadd.s32 $0x1, s10  }
0x1c: {  	p0 =	sne.s32 s10, s5  }
.Ltmp2:
0x1d: {  	[tilespmem:v2+s2+$0x0] =	vst.idx.add.f32.msk $0xffff, v1;
	(pc) =	sbr.rel @p0 .LBB2_1-.Ltmp2, $4  }
0x1e: {  	[hbm4b:s4+s8] =	stream.strided.scatter [tilespmem:s2], [sflag:$0x1], $0x2800, s9, s8, $0x38;
	[tilespmem:$0x5000] =	vst v63  }
0x1f: {  	_ =	swait.ge [sflag:s7], $0x2800  }
0x20: {  	[sflag:s7] =	ssyncset.done $0x0  }
0x21: {  	[sflag:s7] =	ssyncadd.s32 $0xFFFFD800  }
0x22: {  	_ =	sfence.sel $0x180000  }
0x23: {  	[bflag:$0x0] =	sbarrier.arrive $0xFFFF  }
0x24: {  	p0 =	sne.s32 s0, $0x0;
	_ =	strace $0x90000047  }
0x25: {  	s0 =	sadd.s32 @!p0 $0x100000, s1;
	[bflag:$0x2] =	sbarrier.arrive $0xFFFF  }
0x26: {  	[sflag:s0] =	ssyncadd.tile.s32 @!p0 $0x1;
	_ =	shalt  }
.Lfunc_end2:
_tile_overlayer_lowered:
.L_overlay_start_2:
0x27: {  	(tag) =	ssettag $0x2  }
0x28: {  	s0 =	rddreg [dreg:$0x0];
	s2 =	stileid.u32  }
0x29: {  	s1 =	rddreg [dreg:$0x1];
	p0 =	sne.s32 s2, $0x0  }
0x2a: {  	s3 =	rddreg [dreg:$0x2];
	[bflag:$0x3] =	sbarrier.arrive $0xFFFF;
	s2 =	simm.s32 @!p0 $0x1C01  }
0x2b: {  	[timem:s3], [sflag:s2] =	dma.local @!p0 [hbm:s0], s1  }
0x2c: {  	s0 =	simm.s32 @!p0 $0x1  }
0x2d: {  	_ =	swait.ge @!p0 [sflag:s0], s1  }
0x2e: {  	s1 =	ssub.s32 @!p0 $0x0, s1;
	[sflag:s0] =	ssyncset.done @!p0 $0x0  }
0x2f: {  	[sflag:s0] =	ssyncadd.s32 @!p0 s1  }
0x30: {  	[bflag:$0x3] =	sbarrier.arrive $0xFFFF  }
0x31: {  	_ =	shalt  }

</sc_bundles>
